<compile_context>
chip_gen: v7x
topology: tpu7x:2x2x1
jax: 0.10.2.dev20260603
libtpu: 0.0.44.dev20260713+nightly
codegen_flags: <defaults>
</compile_context>

<pallas_src>
import functools

import jax
import jax.numpy as jnp
from jax import lax
from jax.experimental import pallas as pl
from jax.experimental.pallas import tpu as pltpu
from jax.experimental.pallas import tpu_sc as plsc

NC = 2
NS = 16
L = 16
NW = NC * NS

CHUNK = 80
GROUPS = CHUNK // L


def _spmm_partials(x, src, dst, w):
    n, d = x.shape
    e = src.shape[0]
    epw = e // NW
    n_chunks = epw // CHUNK
    rpt = n // NS

    mesh = plsc.VectorSubcoreMesh(core_axis_name="c", subcore_axis_name="s")

    @functools.partial(
        pl.kernel,
        out_type=jax.ShapeDtypeStruct((NC, n, d), jnp.float32),
        mesh=mesh,
        scratch_types=[
            pltpu.VMEM((CHUNK,), jnp.int32),
            pltpu.VMEM((CHUNK,), jnp.int32),
            pltpu.VMEM((CHUNK,), jnp.float32),
            pltpu.VMEM((CHUNK, d), jnp.float32),
            pltpu.VMEM_SHARED((n, d), jnp.float32),
            pltpu.SemaphoreType.DMA,
        ],
    )
    def spmm(x_hbm, src_hbm, dst_hbm, w_hbm, out_hbm, sidx, didx, wts,
             rows, acc, sem):
        c = lax.axis_index("c")
        s = lax.axis_index("s")
        wid = c * NS + s

        zero = jnp.zeros((d,), jnp.float32)

        def zrow(i, _):
            rows[i, :] = zero
            return 0

        lax.fori_loop(0, CHUNK, zrow, 0)
        nz, rem = divmod(rpt, CHUNK)
        for i in range(nz):
            pltpu.sync_copy(rows, acc.at[pl.ds(s * rpt + i * CHUNK, CHUNK)])
        if rem:
            pltpu.sync_copy(rows.at[pl.ds(0, rem)],
                            acc.at[pl.ds(s * rpt + nz * CHUNK, rem)])
        plsc.subcore_barrier()

        def body(i, _):
            base = wid * epw + i * CHUNK
            pltpu.sync_copy(src_hbm.at[pl.ds(base, CHUNK)], sidx)
            pltpu.sync_copy(dst_hbm.at[pl.ds(base, CHUNK)], didx)
            pltpu.sync_copy(w_hbm.at[pl.ds(base, CHUNK)], wts)
            pltpu.async_copy(x_hbm.at[sidx], rows, sem).wait()

            def scale(g, _):
                wv = wts[pl.ds(g * L, L)]
                for j in range(L):
                    r = g * L + j
                    rows[r, :] = rows[r, :] * wv[j]
                return 0

            lax.fori_loop(0, GROUPS, scale, 0)
            pltpu.sync_copy(rows, acc.at[didx], add=True)
            return 0

        lax.fori_loop(0, n_chunks, body, 0)
        plsc.subcore_barrier()

        pltpu.sync_copy(acc.at[pl.ds(s * rpt, rpt)],
                        out_hbm.at[c, pl.ds(s * rpt, rpt)])

    return spmm(x, src, dst, w)


def _combine_matmul(partials, W, n_out):
    _, n, d = partials.shape
    bn = n // 16
    assert n % bn == 0 and bn % 8 == 0

    def body(p_ref, w_ref, o_ref):
        acc = p_ref[0] + p_ref[1]
        o_ref[...] = jnp.dot(acc, w_ref[...],
                             preferred_element_type=jnp.float32)

    out = pl.pallas_call(
        body,
        grid=(n // bn,),
        in_specs=[
            pl.BlockSpec((2, bn, d), lambda i: (0, i, 0)),
            pl.BlockSpec((d, d), lambda i: (0, 0)),
        ],
        out_specs=pl.BlockSpec((bn, d), lambda i: (i, 0)),
        out_shape=jax.ShapeDtypeStruct((n, d), jnp.float32),
    )(partials, W)
    return out[:n_out]


def kernel(input, edge_index, edge_weight, W):
    x = input
    n, d = x.shape
    src = edge_index[1]
    dst = edge_index[0]
    e = src.shape[0]

    unit = NW * CHUNK
    e_pad = ((e + unit - 1) // unit) * unit
    if e_pad != e:
        pad = e_pad - e
        src = jnp.concatenate([src, jnp.zeros((pad,), jnp.int32)])
        dst = jnp.concatenate([dst, jnp.zeros((pad,), jnp.int32)])
        edge_weight = jnp.concatenate(
            [edge_weight, jnp.zeros((pad,), jnp.float32)])

    runit = NS * 8
    n_pad = ((n + runit - 1) // runit) * runit
    if n_pad != n:
        x = jnp.pad(x, ((0, n_pad - n), (0, 0)))

    partials = _spmm_partials(x, src, dst, edge_weight)
    return _combine_matmul(partials, W, n)

# --- scband reference (transcript-rebuilt; emitter-appended) ---
"""Pipeline reference for scband-graph-convolution-perturb-78219944394945 (READ-ONLY COPY).

The authoritative reference and input builder live on the scoring server;
editing this copy changes nothing except your own understanding.
"""

import jax, jax.numpy as jnp
import numpy as np

N = 10000
E = 320000
D = 128

def setup_inputs(seed: int = 0) -> dict:
    key = jax.random.key(seed)
    k1, k2, k3, k4 = jax.random.split(key, 4)
    x = jax.random.normal(k1, (N, D), dtype=jnp.float32)
    edge_index = jax.random.randint(k2, (2, E), 0, N, dtype=jnp.int32)
    edge_weight = jax.random.uniform(k3, (E,), dtype=jnp.float32)
    W = jax.random.normal(k4, (D, D), dtype=jnp.float32) * 0.05
    return {"input": x, "edge_index": edge_index, "edge_weight": edge_weight, "W": W}

def reference(input, edge_index, edge_weight, W):
    # support = input @ W  (dense matmul)
    support = jnp.dot(input, W)
    # output = spmm(adj, support): adj in COO form (dst=row, src=col, edge_weight=value)
    src = edge_index[1]
    dst = edge_index[0]
    msgs = jnp.take(support, src, axis=0) * edge_weight[:, None]
    output = jax.ops.segment_sum(msgs, dst, num_segments=N)
    # NOTE: original module checks `if self.bias is True`, which is False for a
    # Parameter tensor, so the bias is never added. Faithful translation omits it.
    return output

if __name__ == "__main__":
    import jax
    _d = setup_inputs()
    print(jax.jit(kernel)(*tuple(_d.values())))

</pallas_src>

<mosaic_0001>
#map = affine_map<(d0, d1) -> (0, 0)>
#map1 = affine_map<(d0, d1) -> (0)>
#map2 = affine_map<(d0, d1) -> (0, 0, 0)>
module attributes {stable_mosaic.version = 14 : i64} {
  func.func @spmm(%arg0: i32, %arg1: i32, %arg2: memref<10112x128xf32, #tpu.memory_space<hbm>>, %arg3: memref<320000xi32, #tpu.memory_space<hbm>>, %arg4: memref<320000xi32, #tpu.memory_space<hbm>>, %arg5: memref<320000xf32, #tpu.memory_space<hbm>>, %arg6: memref<2x10112x128xf32, #tpu.memory_space<hbm>>, %arg7: memref<80xi32, #tpu.memory_space<vmem>>, %arg8: memref<80xi32, #tpu.memory_space<vmem>>, %arg9: memref<80xf32, #tpu.memory_space<vmem>>, %arg10: memref<80x128xf32, #tpu.memory_space<vmem>>, %arg11: memref<10112x128xf32, #tpu.memory_space<vmem_shared>>, %arg12: memref<!tpu.dma_semaphore, #tpu.memory_space<semaphore_mem>>) attributes {dimension_semantics = [#tpu.dimension_semantics<core_parallel>, #tpu.dimension_semantics<subcore_parallel>], iteration_bounds = array<i64: 2, 16>, scalar_prefetch = 0 : i64, scratch_operands = 6 : i64, tpu.core_type = #tpu.core_type<sc_vector_subcore>, window_params = [{transform_indices = #map}, {transform_indices = #map1}, {transform_indices = #map1}, {transform_indices = #map1}, {transform_indices = #map2}]} {
    %mul3A = arith.constant 16 : i32
    %mul3A_0 = arith.muli %arg0, %mul3A : i32
    %add3A = arith.addi %mul3A_0, %arg1 : i32
    %broadcast_in_dim3A = arith.constant 0.000000e+00 : f32
    %broadcast_in_dim3A_1 = vector.broadcast %broadcast_in_dim3A : f32 to vector<128xf32>
    %scan3A = arith.constant 0 : i32
    %scan3A_2 = arith.constant 0 : i32
    %scan3A_3 = arith.constant 80 : i32
    %scan3A_4 = arith.addi %scan3A_2, %scan3A_3 : i32
    %scan3A_5 = arith.constant 1 : i32
    %scan3A_6 = scf.for %scan3A_52 = %scan3A_2 to %scan3A_4 step %scan3A_5 iter_args(%scan3A_53 = %scan3A) -> (i32)  : i32 {
      %swap3A = arith.index_cast %scan3A_52 : i32 to index
      %swap3A_54 = arith.constant 0 : index
      %swap3A_55 = tpu.vector_load %arg10[%swap3A, %swap3A_54] {strides = array<i32>} : memref<80x128xf32, #tpu.memory_space<vmem>>, vector<1x128xf32>,
      %swap3A_56 = vector.shape_cast %swap3A_55 : vector<1x128xf32> to vector<128xf32>
      %swap3A_57 = vector.shape_cast %broadcast_in_dim3A_1 : vector<128xf32> to vector<1x128xf32>
      tpu.vector_store %arg10[%swap3A, %swap3A_54], %swap3A_57 {strides = array<i32>} : memref<80x128xf32, #tpu.memory_space<vmem>>, vector<1x128xf32>,
      %scan3A_58 = arith.constant 0 : i32
      scf.yield %scan3A_58 : i32
    }
    %scan3A_7 = arith.constant 80 : i32
    %mul3A_8 = arith.constant 632 : i32
    %mul3A_9 = arith.muli %arg1, %mul3A_8 : i32
    %add3A_10 = arith.constant 0 : i32
    %add3A_11 = arith.addi %mul3A_9, %add3A_10 : i32
    "tpu.region"() ({
      %run_scoped3A = tpu.sem_alloc : memref<!tpu.dma_semaphore, #tpu.memory_space<semaphore_mem>>
      %dma_start3A = arith.constant 0 : i32
      %dma_start3A_52 = tpu.memref_slice %arg11[%add3A_11, %dma_start3A] : memref<10112x128xf32, #tpu.memory_space<vmem_shared>> -> memref<80x128xf32, #tpu.memory_space<vmem_shared>>
      %dma_start3A_53 = arith.constant 0 : i32
      %dma_start3A_54 = tpu.memref_slice %arg11[%add3A_11, %dma_start3A_53] : memref<10112x128xf32, #tpu.memory_space<vmem_shared>> -> memref<80x128xf32, #tpu.memory_space<vmem_shared>>
      tpu.enqueue_dma source(%arg10 : memref<80x128xf32, #tpu.memory_space<vmem>>) target(%dma_start3A_54 : memref<80x128xf32, #tpu.memory_space<vmem_shared>>) target_semaphore(%run_scoped3A : memref<!tpu.dma_semaphore, #tpu.memory_space<semaphore_mem>>)
      %dma_wait3A = arith.constant 0 : i32
      %dma_wait3A_55 = tpu.memref_slice %arg11[%add3A_11, %dma_wait3A] : memref<10112x128xf32, #tpu.memory_space<vmem_shared>> -> memref<80x128xf32, #tpu.memory_space<vmem_shared>>
      %dma_wait3A_56 = arith.constant 0 : i32
      %dma_wait3A_57 = tpu.memref_slice %arg11[%add3A_11, %dma_wait3A_56] : memref<10112x128xf32, #tpu.memory_space<vmem_shared>> -> memref<80x128xf32, #tpu.memory_space<vmem_shared>>
      tpu.wait_dma2 semaphore(%run_scoped3A : memref<!tpu.dma_semaphore, #tpu.memory_space<semaphore_mem>>) src(%arg10 : memref<80x128xf32, #tpu.memory_space<vmem>>) dst(%dma_wait3A_57 : memref<80x128xf32, #tpu.memory_space<vmem_shared>>)
      tpu.yield
    }) : () -> ()
    %mul3A_12 = arith.constant 632 : i32
    %mul3A_13 = arith.muli %arg1, %mul3A_12 : i32
    %add3A_14 = arith.constant 80 : i32
    %add3A_15 = arith.addi %mul3A_13, %add3A_14 : i32
    "tpu.region"() ({
      %run_scoped3A = tpu.sem_alloc : memref<!tpu.dma_semaphore, #tpu.memory_space<semaphore_mem>>
      %dma_start3A = arith.constant 0 : i32
      %dma_start3A_52 = tpu.memref_slice %arg11[%add3A_15, %dma_start3A] : memref<10112x128xf32, #tpu.memory_space<vmem_shared>> -> memref<80x128xf32, #tpu.memory_space<vmem_shared>>
      %dma_start3A_53 = arith.constant 0 : i32
      %dma_start3A_54 = tpu.memref_slice %arg11[%add3A_15, %dma_start3A_53] : memref<10112x128xf32, #tpu.memory_space<vmem_shared>> -> memref<80x128xf32, #tpu.memory_space<vmem_shared>>
      tpu.enqueue_dma source(%arg10 : memref<80x128xf32, #tpu.memory_space<vmem>>) target(%dma_start3A_54 : memref<80x128xf32, #tpu.memory_space<vmem_shared>>) target_semaphore(%run_scoped3A : memref<!tpu.dma_semaphore, #tpu.memory_space<semaphore_mem>>)
      %dma_wait3A = arith.constant 0 : i32
      %dma_wait3A_55 = tpu.memref_slice %arg11[%add3A_15, %dma_wait3A] : memref<10112x128xf32, #tpu.memory_space<vmem_shared>> -> memref<80x128xf32, #tpu.memory_space<vmem_shared>>
      %dma_wait3A_56 = arith.constant 0 : i32
      %dma_wait3A_57 = tpu.memref_slice %arg11[%add3A_15, %dma_wait3A_56] : memref<10112x128xf32, #tpu.memory_space<vmem_shared>> -> memref<80x128xf32, #tpu.memory_space<vmem_shared>>
      tpu.wait_dma2 semaphore(%run_scoped3A : memref<!tpu.dma_semaphore, #tpu.memory_space<semaphore_mem>>) src(%arg10 : memref<80x128xf32, #tpu.memory_space<vmem>>) dst(%dma_wait3A_57 : memref<80x128xf32, #tpu.memory_space<vmem_shared>>)
      tpu.yield
    }) : () -> ()
    %mul3A_16 = arith.constant 632 : i32
    %mul3A_17 = arith.muli %arg1, %mul3A_16 : i32
    %add3A_18 = arith.constant 160 : i32
    %add3A_19 = arith.addi %mul3A_17, %add3A_18 : i32
    "tpu.region"() ({
      %run_scoped3A = tpu.sem_alloc : memref<!tpu.dma_semaphore, #tpu.memory_space<semaphore_mem>>
      %dma_start3A = arith.constant 0 : i32
      %dma_start3A_52 = tpu.memref_slice %arg11[%add3A_19, %dma_start3A] : memref<10112x128xf32, #tpu.memory_space<vmem_shared>> -> memref<80x128xf32, #tpu.memory_space<vmem_shared>>
      %dma_start3A_53 = arith.constant 0 : i32
      %dma_start3A_54 = tpu.memref_slice %arg11[%add3A_19, %dma_start3A_53] : memref<10112x128xf32, #tpu.memory_space<vmem_shared>> -> memref<80x128xf32, #tpu.memory_space<vmem_shared>>
      tpu.enqueue_dma source(%arg10 : memref<80x128xf32, #tpu.memory_space<vmem>>) target(%dma_start3A_54 : memref<80x128xf32, #tpu.memory_space<vmem_shared>>) target_semaphore(%run_scoped3A : memref<!tpu.dma_semaphore, #tpu.memory_space<semaphore_mem>>)
      %dma_wait3A = arith.constant 0 : i32
      %dma_wait3A_55 = tpu.memref_slice %arg11[%add3A_19, %dma_wait3A] : memref<10112x128xf32, #tpu.memory_space<vmem_shared>> -> memref<80x128xf32, #tpu.memory_space<vmem_shared>>
      %dma_wait3A_56 = arith.constant 0 : i32
      %dma_wait3A_57 = tpu.memref_slice %arg11[%add3A_19, %dma_wait3A_56] : memref<10112x128xf32, #tpu.memory_space<vmem_shared>> -> memref<80x128xf32, #tpu.memory_space<vmem_shared>>
      tpu.wait_dma2 semaphore(%run_scoped3A : memref<!tpu.dma_semaphore, #tpu.memory_space<semaphore_mem>>) src(%arg10 : memref<80x128xf32, #tpu.memory_space<vmem>>) dst(%dma_wait3A_57 : memref<80x128xf32, #tpu.memory_space<vmem_shared>>)
      tpu.yield
    }) : () -> ()
    %mul3A_20 = arith.constant 632 : i32
    %mul3A_21 = arith.muli %arg1, %mul3A_20 : i32
    %add3A_22 = arith.constant 240 : i32
    %add3A_23 = arith.addi %mul3A_21, %add3A_22 : i32
    "tpu.region"() ({
      %run_scoped3A = tpu.sem_alloc : memref<!tpu.dma_semaphore, #tpu.memory_space<semaphore_mem>>
      %dma_start3A = arith.constant 0 : i32
      %dma_start3A_52 = tpu.memref_slice %arg11[%add3A_23, %dma_start3A] : memref<10112x128xf32, #tpu.memory_space<vmem_shared>> -> memref<80x128xf32, #tpu.memory_space<vmem_shared>>
      %dma_start3A_53 = arith.constant 0 : i32
      %dma_start3A_54 = tpu.memref_slice %arg11[%add3A_23, %dma_start3A_53] : memref<10112x128xf32, #tpu.memory_space<vmem_shared>> -> memref<80x128xf32, #tpu.memory_space<vmem_shared>>
      tpu.enqueue_dma source(%arg10 : memref<80x128xf32, #tpu.memory_space<vmem>>) target(%dma_start3A_54 : memref<80x128xf32, #tpu.memory_space<vmem_shared>>) target_semaphore(%run_scoped3A : memref<!tpu.dma_semaphore, #tpu.memory_space<semaphore_mem>>)
      %dma_wait3A = arith.constant 0 : i32
      %dma_wait3A_55 = tpu.memref_slice %arg11[%add3A_23, %dma_wait3A] : memref<10112x128xf32, #tpu.memory_space<vmem_shared>> -> memref<80x128xf32, #tpu.memory_space<vmem_shared>>
      %dma_wait3A_56 = arith.constant 0 : i32
      %dma_wait3A_57 = tpu.memref_slice %arg11[%add3A_23, %dma_wait3A_56] : memref<10112x128xf32, #tpu.memory_space<vmem_shared>> -> memref<80x128xf32, #tpu.memory_space<vmem_shared>>
      tpu.wait_dma2 semaphore(%run_scoped3A : memref<!tpu.dma_semaphore, #tpu.memory_space<semaphore_mem>>) src(%arg10 : memref<80x128xf32, #tpu.memory_space<vmem>>) dst(%dma_wait3A_57 : memref<80x128xf32, #tpu.memory_space<vmem_shared>>)
      tpu.yield
    }) : () -> ()
    %mul3A_24 = arith.constant 632 : i32
    %mul3A_25 = arith.muli %arg1, %mul3A_24 : i32
    %add3A_26 = arith.constant 320 : i32
    %add3A_27 = arith.addi %mul3A_25, %add3A_26 : i32
    "tpu.region"() ({
      %run_scoped3A = tpu.sem_alloc : memref<!tpu.dma_semaphore, #tpu.memory_space<semaphore_mem>>
      %dma_start3A = arith.constant 0 : i32
      %dma_start3A_52 = tpu.memref_slice %arg11[%add3A_27, %dma_start3A] : memref<10112x128xf32, #tpu.memory_space<vmem_shared>> -> memref<80x128xf32, #tpu.memory_space<vmem_shared>>
      %dma_start3A_53 = arith.constant 0 : i32
      %dma_start3A_54 = tpu.memref_slice %arg11[%add3A_27, %dma_start3A_53] : memref<10112x128xf32, #tpu.memory_space<vmem_shared>> -> memref<80x128xf32, #tpu.memory_space<vmem_shared>>
      tpu.enqueue_dma source(%arg10 : memref<80x128xf32, #tpu.memory_space<vmem>>) target(%dma_start3A_54 : memref<80x128xf32, #tpu.memory_space<vmem_shared>>) target_semaphore(%run_scoped3A : memref<!tpu.dma_semaphore, #tpu.memory_space<semaphore_mem>>)
      %dma_wait3A = arith.constant 0 : i32
      %dma_wait3A_55 = tpu.memref_slice %arg11[%add3A_27, %dma_wait3A] : memref<10112x128xf32, #tpu.memory_space<vmem_shared>> -> memref<80x128xf32, #tpu.memory_space<vmem_shared>>
      %dma_wait3A_56 = arith.constant 0 : i32
      %dma_wait3A_57 = tpu.memref_slice %arg11[%add3A_27, %dma_wait3A_56] : memref<10112x128xf32, #tpu.memory_space<vmem_shared>> -> memref<80x128xf32, #tpu.memory_space<vmem_shared>>
      tpu.wait_dma2 semaphore(%run_scoped3A : memref<!tpu.dma_semaphore, #tpu.memory_space<semaphore_mem>>) src(%arg10 : memref<80x128xf32, #tpu.memory_space<vmem>>) dst(%dma_wait3A_57 : memref<80x128xf32, #tpu.memory_space<vmem_shared>>)
      tpu.yield
    }) : () -> ()
    %mul3A_28 = arith.constant 632 : i32
    %mul3A_29 = arith.muli %arg1, %mul3A_28 : i32
    %add3A_30 = arith.constant 400 : i32
    %add3A_31 = arith.addi %mul3A_29, %add3A_30 : i32
    "tpu.region"() ({
      %run_scoped3A = tpu.sem_alloc : memref<!tpu.dma_semaphore, #tpu.memory_space<semaphore_mem>>
      %dma_start3A = arith.constant 0 : i32
      %dma_start3A_52 = tpu.memref_slice %arg11[%add3A_31, %dma_start3A] : memref<10112x128xf32, #tpu.memory_space<vmem_shared>> -> memref<80x128xf32, #tpu.memory_space<vmem_shared>>
      %dma_start3A_53 = arith.constant 0 : i32
      %dma_start3A_54 = tpu.memref_slice %arg11[%add3A_31, %dma_start3A_53] : memref<10112x128xf32, #tpu.memory_space<vmem_shared>> -> memref<80x128xf32, #tpu.memory_space<vmem_shared>>
      tpu.enqueue_dma source(%arg10 : memref<80x128xf32, #tpu.memory_space<vmem>>) target(%dma_start3A_54 : memref<80x128xf32, #tpu.memory_space<vmem_shared>>) target_semaphore(%run_scoped3A : memref<!tpu.dma_semaphore, #tpu.memory_space<semaphore_mem>>)
      %dma_wait3A = arith.constant 0 : i32
      %dma_wait3A_55 = tpu.memref_slice %arg11[%add3A_31, %dma_wait3A] : memref<10112x128xf32, #tpu.memory_space<vmem_shared>> -> memref<80x128xf32, #tpu.memory_space<vmem_shared>>
      %dma_wait3A_56 = arith.constant 0 : i32
      %dma_wait3A_57 = tpu.memref_slice %arg11[%add3A_31, %dma_wait3A_56] : memref<10112x128xf32, #tpu.memory_space<vmem_shared>> -> memref<80x128xf32, #tpu.memory_space<vmem_shared>>
      tpu.wait_dma2 semaphore(%run_scoped3A : memref<!tpu.dma_semaphore, #tpu.memory_space<semaphore_mem>>) src(%arg10 : memref<80x128xf32, #tpu.memory_space<vmem>>) dst(%dma_wait3A_57 : memref<80x128xf32, #tpu.memory_space<vmem_shared>>)
      tpu.yield
    }) : () -> ()
    %mul3A_32 = arith.constant 632 : i32
    %mul3A_33 = arith.muli %arg1, %mul3A_32 : i32
    %add3A_34 = arith.constant 480 : i32
    %add3A_35 = arith.addi %mul3A_33, %add3A_34 : i32
    "tpu.region"() ({
      %run_scoped3A = tpu.sem_alloc : memref<!tpu.dma_semaphore, #tpu.memory_space<semaphore_mem>>
      %dma_start3A = arith.constant 0 : i32
      %dma_start3A_52 = tpu.memref_slice %arg11[%add3A_35, %dma_start3A] : memref<10112x128xf32, #tpu.memory_space<vmem_shared>> -> memref<80x128xf32, #tpu.memory_space<vmem_shared>>
      %dma_start3A_53 = arith.constant 0 : i32
      %dma_start3A_54 = tpu.memref_slice %arg11[%add3A_35, %dma_start3A_53] : memref<10112x128xf32, #tpu.memory_space<vmem_shared>> -> memref<80x128xf32, #tpu.memory_space<vmem_shared>>
      tpu.enqueue_dma source(%arg10 : memref<80x128xf32, #tpu.memory_space<vmem>>) target(%dma_start3A_54 : memref<80x128xf32, #tpu.memory_space<vmem_shared>>) target_semaphore(%run_scoped3A : memref<!tpu.dma_semaphore, #tpu.memory_space<semaphore_mem>>)
      %dma_wait3A = arith.constant 0 : i32
      %dma_wait3A_55 = tpu.memref_slice %arg11[%add3A_35, %dma_wait3A] : memref<10112x128xf32, #tpu.memory_space<vmem_shared>> -> memref<80x128xf32, #tpu.memory_space<vmem_shared>>
      %dma_wait3A_56 = arith.constant 0 : i32
      %dma_wait3A_57 = tpu.memref_slice %arg11[%add3A_35, %dma_wait3A_56] : memref<10112x128xf32, #tpu.memory_space<vmem_shared>> -> memref<80x128xf32, #tpu.memory_space<vmem_shared>>
      tpu.wait_dma2 semaphore(%run_scoped3A : memref<!tpu.dma_semaphore, #tpu.memory_space<semaphore_mem>>) src(%arg10 : memref<80x128xf32, #tpu.memory_space<vmem>>) dst(%dma_wait3A_57 : memref<80x128xf32, #tpu.memory_space<vmem_shared>>)
      tpu.yield
    }) : () -> ()
    %mul3A_36 = arith.constant 632 : i32
    %mul3A_37 = arith.muli %arg1, %mul3A_36 : i32
    %add3A_38 = arith.constant 560 : i32
    %add3A_39 = arith.addi %mul3A_37, %add3A_38 : i32
    "tpu.region"() ({
      %run_scoped3A = tpu.sem_alloc : memref<!tpu.dma_semaphore, #tpu.memory_space<semaphore_mem>>
      %dma_start3A = arith.constant 0 : i32
      %dma_start3A_52 = arith.constant 0 : i32
      %dma_start3A_53 = tpu.memref_slice %arg10[%dma_start3A, %dma_start3A_52] : memref<80x128xf32, #tpu.memory_space<vmem>> -> memref<72x128xf32, #tpu.memory_space<vmem>>
      %dma_start3A_54 = arith.constant 0 : i32
      %dma_start3A_55 = tpu.memref_slice %arg11[%add3A_39, %dma_start3A_54] : memref<10112x128xf32, #tpu.memory_space<vmem_shared>> -> memref<72x128xf32, #tpu.memory_space<vmem_shared>>
      %dma_start3A_56 = arith.constant 0 : i32
      %dma_start3A_57 = tpu.memref_slice %arg11[%add3A_39, %dma_start3A_56] : memref<10112x128xf32, #tpu.memory_space<vmem_shared>> -> memref<72x128xf32, #tpu.memory_space<vmem_shared>>
      %dma_start3A_58 = arith.constant 0 : i32
      %dma_start3A_59 = arith.constant 0 : i32
      %dma_start3A_60 = tpu.memref_slice %arg10[%dma_start3A_58, %dma_start3A_59] : memref<80x128xf32, #tpu.memory_space<vmem>> -> memref<72x128xf32, #tpu.memory_space<vmem>>
      tpu.enqueue_dma source(%dma_start3A_60 : memref<72x128xf32, #tpu.memory_space<vmem>>) target(%dma_start3A_57 : memref<72x128xf32, #tpu.memory_space<vmem_shared>>) target_semaphore(%run_scoped3A : memref<!tpu.dma_semaphore, #tpu.memory_space<semaphore_mem>>)
      %dma_wait3A = arith.constant 0 : i32
      %dma_wait3A_61 = arith.constant 0 : i32
      %dma_wait3A_62 = tpu.memref_slice %arg10[%dma_wait3A, %dma_wait3A_61] : memref<80x128xf32, #tpu.memory_space<vmem>> -> memref<72x128xf32, #tpu.memory_space<vmem>>
      %dma_wait3A_63 = arith.constant 0 : i32
      %dma_wait3A_64 = tpu.memref_slice %arg11[%add3A_39, %dma_wait3A_63] : memref<10112x128xf32, #tpu.memory_space<vmem_shared>> -> memref<72x128xf32, #tpu.memory_space<vmem_shared>>
      %dma_wait3A_65 = arith.constant 0 : i32
      %dma_wait3A_66 = tpu.memref_slice %arg11[%add3A_39, %dma_wait3A_65] : memref<10112x128xf32, #tpu.memory_space<vmem_shared>> -> memref<72x128xf32, #tpu.memory_space<vmem_shared>>
      %dma_wait3A_67 = arith.constant 0 : i32
      %dma_wait3A_68 = arith.constant 0 : i32
      %dma_wait3A_69 = tpu.memref_slice %arg10[%dma_wait3A_67, %dma_wait3A_68] : memref<80x128xf32, #tpu.memory_space<vmem>> -> memref<72x128xf32, #tpu.memory_space<vmem>>
      tpu.wait_dma2 semaphore(%run_scoped3A : memref<!tpu.dma_semaphore, #tpu.memory_space<semaphore_mem>>) src(%dma_wait3A_69 : memref<72x128xf32, #tpu.memory_space<vmem>>) dst(%dma_wait3A_66 : memref<72x128xf32, #tpu.memory_space<vmem_shared>>)
      tpu.yield
    }) : () -> ()
    %barrier3A = arith.constant 0 : index
    tpu.barrier barrier_id(%barrier3A)
    %scan3A_40 = arith.constant 0 : i32
    %scan3A_41 = arith.constant 0 : i32
    %scan3A_42 = arith.constant 125 : i32
    %scan3A_43 = arith.addi %scan3A_41, %scan3A_42 : i32
    %scan3A_44 = arith.constant 1 : i32
    %scan3A_45 = scf.for %scan3A_52 = %scan3A_41 to %scan3A_43 step %scan3A_44 iter_args(%scan3A_53 = %scan3A_40) -> (i32)  : i32 {
      %mul3A_54 = arith.constant 10000 : i32
      %mul3A_55 = arith.muli %add3A, %mul3A_54 : i32
      %mul3A_56 = arith.constant 80 : i32
      %mul3A_57 = arith.muli %scan3A_52, %mul3A_56 : i32
      %add3A_58 = arith.addi %mul3A_55, %mul3A_57 : i32
      "tpu.region"() ({
        %run_scoped3A = tpu.sem_alloc : memref<!tpu.dma_semaphore, #tpu.memory_space<semaphore_mem>>
        %dma_start3A_71 = tpu.memref_slice %arg3[%add3A_58] : memref<320000xi32, #tpu.memory_space<hbm>> -> memref<80xi32, #tpu.memory_space<hbm>>
        %dma_start3A_72 = tpu.memref_slice %arg3[%add3A_58] : memref<320000xi32, #tpu.memory_space<hbm>> -> memref<80xi32, #tpu.memory_space<hbm>>
        tpu.enqueue_dma source(%dma_start3A_72 : memref<80xi32, #tpu.memory_space<hbm>>) target(%arg7 : memref<80xi32, #tpu.memory_space<vmem>>) target_semaphore(%run_scoped3A : memref<!tpu.dma_semaphore, #tpu.memory_space<semaphore_mem>>)
        %dma_wait3A_73 = tpu.memref_slice %arg3[%add3A_58] : memref<320000xi32, #tpu.memory_space<hbm>> -> memref<80xi32, #tpu.memory_space<hbm>>
        %dma_wait3A_74 = tpu.memref_slice %arg3[%add3A_58] : memref<320000xi32, #tpu.memory_space<hbm>> -> memref<80xi32, #tpu.memory_space<hbm>>
        tpu.wait_dma2 semaphore(%run_scoped3A : memref<!tpu.dma_semaphore, #tpu.memory_space<semaphore_mem>>) src(%dma_wait3A_74 : memref<80xi32, #tpu.memory_space<hbm>>) dst(%arg7 : memref<80xi32, #tpu.memory_space<vmem>>)
        tpu.yield
      }) : () -> ()
      "tpu.region"() ({
        %run_scoped3A = tpu.sem_alloc : memref<!tpu.dma_semaphore, #tpu.memory_space<semaphore_mem>>
        %dma_start3A_71 = tpu.memref_slice %arg4[%add3A_58] : memref<320000xi32, #tpu.memory_space<hbm>> -> memref<80xi32, #tpu.memory_space<hbm>>
        %dma_start3A_72 = tpu.memref_slice %arg4[%add3A_58] : memref<320000xi32, #tpu.memory_space<hbm>> -> memref<80xi32, #tpu.memory_space<hbm>>
        tpu.enqueue_dma source(%dma_start3A_72 : memref<80xi32, #tpu.memory_space<hbm>>) target(%arg8 : memref<80xi32, #tpu.memory_space<vmem>>) target_semaphore(%run_scoped3A : memref<!tpu.dma_semaphore, #tpu.memory_space<semaphore_mem>>)
        %dma_wait3A_73 = tpu.memref_slice %arg4[%add3A_58] : memref<320000xi32, #tpu.memory_space<hbm>> -> memref<80xi32, #tpu.memory_space<hbm>>
        %dma_wait3A_74 = tpu.memref_slice %arg4[%add3A_58] : memref<320000xi32, #tpu.memory_space<hbm>> -> memref<80xi32, #tpu.memory_space<hbm>>
        tpu.wait_dma2 semaphore(%run_scoped3A : memref<!tpu.dma_semaphore, #tpu.memory_space<semaphore_mem>>) src(%dma_wait3A_74 : memref<80xi32, #tpu.memory_space<hbm>>) dst(%arg8 : memref<80xi32, #tpu.memory_space<vmem>>)
        tpu.yield
      }) : () -> ()
      "tpu.region"() ({
        %run_scoped3A = tpu.sem_alloc : memref<!tpu.dma_semaphore, #tpu.memory_space<semaphore_mem>>
        %dma_start3A_71 = tpu.memref_slice %arg5[%add3A_58] : memref<320000xf32, #tpu.memory_space<hbm>> -> memref<80xf32, #tpu.memory_space<hbm>>
        %dma_start3A_72 = tpu.memref_slice %arg5[%add3A_58] : memref<320000xf32, #tpu.memory_space<hbm>> -> memref<80xf32, #tpu.memory_space<hbm>>
        tpu.enqueue_dma source(%dma_start3A_72 : memref<80xf32, #tpu.memory_space<hbm>>) target(%arg9 : memref<80xf32, #tpu.memory_space<vmem>>) target_semaphore(%run_scoped3A : memref<!tpu.dma_semaphore, #tpu.memory_space<semaphore_mem>>)
        %dma_wait3A_73 = tpu.memref_slice %arg5[%add3A_58] : memref<320000xf32, #tpu.memory_space<hbm>> -> memref<80xf32, #tpu.memory_space<hbm>>
        %dma_wait3A_74 = tpu.memref_slice %arg5[%add3A_58] : memref<320000xf32, #tpu.memory_space<hbm>> -> memref<80xf32, #tpu.memory_space<hbm>>
        tpu.wait_dma2 semaphore(%run_scoped3A : memref<!tpu.dma_semaphore, #tpu.memory_space<semaphore_mem>>) src(%dma_wait3A_74 : memref<80xf32, #tpu.memory_space<hbm>>) dst(%arg9 : memref<80xf32, #tpu.memory_space<vmem>>)
        tpu.yield
      }) : () -> ()
      %dma_start3A = arith.constant 0 : i32
      %dma_start3A_59 = arith.constant 0 : i32
      %dma_start3A_60 = tpu.memref_slice %arg2[%dma_start3A, %dma_start3A_59] : memref<10112x128xf32, #tpu.memory_space<hbm>> -> memref<10112x128xf32, #tpu.memory_space<hbm>>
      tpu.enqueue_indirect_dma source(%dma_start3A_60 : memref<10112x128xf32, #tpu.memory_space<hbm>>) target(%arg10 : memref<80x128xf32, #tpu.memory_space<vmem>>) offsets(%arg7 : memref<80xi32, #tpu.memory_space<vmem>>) semaphore(%arg12 : memref<!tpu.dma_semaphore, #tpu.memory_space<semaphore_mem>>)
      %dma_wait3A = arith.constant 0 : i32
      %dma_wait3A_61 = arith.constant 0 : i32
      %dma_wait3A_62 = tpu.memref_slice %arg2[%dma_wait3A, %dma_wait3A_61] : memref<10112x128xf32, #tpu.memory_space<hbm>> -> memref<10112x128xf32, #tpu.memory_space<hbm>>
      tpu.wait_indirect_dma semaphore(%arg12 : memref<!tpu.dma_semaphore, #tpu.memory_space<semaphore_mem>>) src(%dma_wait3A_62 : memref<10112x128xf32, #tpu.memory_space<hbm>>) dst(%arg10 : memref<80x128xf32, #tpu.memory_space<vmem>>)
      %scan3A_63 = arith.constant 0 : i32
      %scan3A_64 = arith.constant 0 : i32
      %scan3A_65 = arith.constant 5 : i32
      %scan3A_66 = arith.addi %scan3A_64, %scan3A_65 : i32
      %scan3A_67 = arith.constant 1 : i32
      %scan3A_68 = scf.for %scan3A_71 = %scan3A_64 to %scan3A_66 step %scan3A_67 iter_args(%scan3A_72 = %scan3A_63) -> (i32)  : i32 {
        %mul3A_73 = arith.constant 16 : i32
        %mul3A_74 = arith.muli %scan3A_71, %mul3A_73 : i32
        %get3A = arith.index_cast %mul3A_74 : i32 to index
        %get3A_75 = tpu.vector_load %arg9[%get3A] {strides = array<i32>} : memref<80xf32, #tpu.memory_space<vmem>>, vector<16xf32>,
        %get3A_76 = vector.shape_cast %get3A_75 : vector<16xf32> to vector<16xf32>
        %mul3A_77 = arith.constant 16 : i32
        %mul3A_78 = arith.muli %scan3A_71, %mul3A_77 : i32
        %add3A_79 = arith.constant 0 : i32
        %add3A_80 = arith.addi %mul3A_78, %add3A_79 : i32
        %get3A_81 = arith.index_cast %add3A_80 : i32 to index
        %get3A_82 = arith.constant 0 : index
        %get3A_83 = tpu.vector_load %arg10[%get3A_81, %get3A_82] {strides = array<i32>} : memref<80x128xf32, #tpu.memory_space<vmem>>, vector<1x128xf32>,
        %get3A_84 = vector.shape_cast %get3A_83 : vector<1x128xf32> to vector<128xf32>
        %slice3A = vector.extract_strided_slice %get3A_76 {offsets = [0], sizes = [1], strides = [1]} : vector<16xf32> to vector<1xf32>
        %squeeze3A = vector.extract %slice3A[0] : f32 from vector<1xf32>
        %mul3A_85 = vector.broadcast %squeeze3A : f32 to vector<128xf32>
        %mul3A_86 = arith.mulf %get3A_84, %mul3A_85 : vector<128xf32>
        %swap3A = arith.index_cast %add3A_80 : i32 to index
        %swap3A_87 = arith.constant 0 : index
        %swap3A_88 = tpu.vector_load %arg10[%swap3A, %swap3A_87] {strides = array<i32>} : memref<80x128xf32, #tpu.memory_space<vmem>>, vector<1x128xf32>,
        %swap3A_89 = vector.shape_cast %swap3A_88 : vector<1x128xf32> to vector<128xf32>
        %swap3A_90 = vector.shape_cast %mul3A_86 : vector<128xf32> to vector<1x128xf32>
        tpu.vector_store %arg10[%swap3A, %swap3A_87], %swap3A_90 {strides = array<i32>} : memref<80x128xf32, #tpu.memory_space<vmem>>, vector<1x128xf32>,
        %mul3A_91 = arith.constant 16 : i32
        %mul3A_92 = arith.muli %scan3A_71, %mul3A_91 : i32
        %add3A_93 = arith.constant 1 : i32
        %add3A_94 = arith.addi %mul3A_92, %add3A_93 : i32
        %get3A_95 = arith.index_cast %add3A_94 : i32 to index
        %get3A_96 = arith.constant 0 : index
        %get3A_97 = tpu.vector_load %arg10[%get3A_95, %get3A_96] {strides = array<i32>} : memref<80x128xf32, #tpu.memory_space<vmem>>, vector<1x128xf32>,
        %get3A_98 = vector.shape_cast %get3A_97 : vector<1x128xf32> to vector<128xf32>
        %slice3A_99 = vector.extract_strided_slice %get3A_76 {offsets = [1], sizes = [1], strides = [1]} : vector<16xf32> to vector<1xf32>
        %squeeze3A_100 = vector.extract %slice3A_99[0] : f32 from vector<1xf32>
        %mul3A_101 = vector.broadcast %squeeze3A_100 : f32 to vector<128xf32>
        %mul3A_102 = arith.mulf %get3A_98, %mul3A_101 : vector<128xf32>
        %swap3A_103 = arith.index_cast %add3A_94 : i32 to index
        %swap3A_104 = arith.constant 0 : index
        %swap3A_105 = tpu.vector_load %arg10[%swap3A_103, %swap3A_104] {strides = array<i32>} : memref<80x128xf32, #tpu.memory_space<vmem>>, vector<1x128xf32>,
        %swap3A_106 = vector.shape_cast %swap3A_105 : vector<1x128xf32> to vector<128xf32>
        %swap3A_107 = vector.shape_cast %mul3A_102 : vector<128xf32> to vector<1x128xf32>
        tpu.vector_store %arg10[%swap3A_103, %swap3A_104], %swap3A_107 {strides = array<i32>} : memref<80x128xf32, #tpu.memory_space<vmem>>, vector<1x128xf32>,
        %mul3A_108 = arith.constant 16 : i32
        %mul3A_109 = arith.muli %scan3A_71, %mul3A_108 : i32
        %add3A_110 = arith.constant 2 : i32
        %add3A_111 = arith.addi %mul3A_109, %add3A_110 : i32
        %get3A_112 = arith.index_cast %add3A_111 : i32 to index
        %get3A_113 = arith.constant 0 : index
        %get3A_114 = tpu.vector_load %arg10[%get3A_112, %get3A_113] {strides = array<i32>} : memref<80x128xf32, #tpu.memory_space<vmem>>, vector<1x128xf32>,
        %get3A_115 = vector.shape_cast %get3A_114 : vector<1x128xf32> to vector<128xf32>
        %slice3A_116 = vector.extract_strided_slice %get3A_76 {offsets = [2], sizes = [1], strides = [1]} : vector<16xf32> to vector<1xf32>
        %squeeze3A_117 = vector.extract %slice3A_116[0] : f32 from vector<1xf32>
        %mul3A_118 = vector.broadcast %squeeze3A_117 : f32 to vector<128xf32>
        %mul3A_119 = arith.mulf %get3A_115, %mul3A_118 : vector<128xf32>
        %swap3A_120 = arith.index_cast %add3A_111 : i32 to index
        %swap3A_121 = arith.constant 0 : index
        %swap3A_122 = tpu.vector_load %arg10[%swap3A_120, %swap3A_121] {strides = array<i32>} : memref<80x128xf32, #tpu.memory_space<vmem>>, vector<1x128xf32>,
        %swap3A_123 = vector.shape_cast %swap3A_122 : vector<1x128xf32> to vector<128xf32>
        %swap3A_124 = vector.shape_cast %mul3A_119 : vector<128xf32> to vector<1x128xf32>
        tpu.vector_store %arg10[%swap3A_120, %swap3A_121], %swap3A_124 {strides = array<i32>} : memref<80x128xf32, #tpu.memory_space<vmem>>, vector<1x128xf32>,
        %mul3A_125 = arith.constant 16 : i32
        %mul3A_126 = arith.muli %scan3A_71, %mul3A_125 : i32
        %add3A_127 = arith.constant 3 : i32
        %add3A_128 = arith.addi %mul3A_126, %add3A_127 : i32
        %get3A_129 = arith.index_cast %add3A_128 : i32 to index
        %get3A_130 = arith.constant 0 : index
        %get3A_131 = tpu.vector_load %arg10[%get3A_129, %get3A_130] {strides = array<i32>} : memref<80x128xf32, #tpu.memory_space<vmem>>, vector<1x128xf32>,
        %get3A_132 = vector.shape_cast %get3A_131 : vector<1x128xf32> to vector<128xf32>
        %slice3A_133 = vector.extract_strided_slice %get3A_76 {offsets = [3], sizes = [1], strides = [1]} : vector<16xf32> to vector<1xf32>
        %squeeze3A_134 = vector.extract %slice3A_133[0] : f32 from vector<1xf32>
        %mul3A_135 = vector.broadcast %squeeze3A_134 : f32 to vector<128xf32>
        %mul3A_136 = arith.mulf %get3A_132, %mul3A_135 : vector<128xf32>
        %swap3A_137 = arith.index_cast %add3A_128 : i32 to index
        %swap3A_138 = arith.constant 0 : index
        %swap3A_139 = tpu.vector_load %arg10[%swap3A_137, %swap3A_138] {strides = array<i32>} : memref<80x128xf32, #tpu.memory_space<vmem>>, vector<1x128xf32>,
        %swap3A_140 = vector.shape_cast %swap3A_139 : vector<1x128xf32> to vector<128xf32>
        %swap3A_141 = vector.shape_cast %mul3A_136 : vector<128xf32> to vector<1x128xf32>
        tpu.vector_store %arg10[%swap3A_137, %swap3A_138], %swap3A_141 {strides = array<i32>} : memref<80x128xf32, #tpu.memory_space<vmem>>, vector<1x128xf32>,
        %mul3A_142 = arith.constant 16 : i32
        %mul3A_143 = arith.muli %scan3A_71, %mul3A_142 : i32
        %add3A_144 = arith.constant 4 : i32
        %add3A_145 = arith.addi %mul3A_143, %add3A_144 : i32
        %get3A_146 = arith.index_cast %add3A_145 : i32 to index
        %get3A_147 = arith.constant 0 : index
        %get3A_148 = tpu.vector_load %arg10[%get3A_146, %get3A_147] {strides = array<i32>} : memref<80x128xf32, #tpu.memory_space<vmem>>, vector<1x128xf32>,
        %get3A_149 = vector.shape_cast %get3A_148 : vector<1x128xf32> to vector<128xf32>
        %slice3A_150 = vector.extract_strided_slice %get3A_76 {offsets = [4], sizes = [1], strides = [1]} : vector<16xf32> to vector<1xf32>
        %squeeze3A_151 = vector.extract %slice3A_150[0] : f32 from vector<1xf32>
        %mul3A_152 = vector.broadcast %squeeze3A_151 : f32 to vector<128xf32>
        %mul3A_153 = arith.mulf %get3A_149, %mul3A_152 : vector<128xf32>
        %swap3A_154 = arith.index_cast %add3A_145 : i32 to index
        %swap3A_155 = arith.constant 0 : index
        %swap3A_156 = tpu.vector_load %arg10[%swap3A_154, %swap3A_155] {strides = array<i32>} : memref<80x128xf32, #tpu.memory_space<vmem>>, vector<1x128xf32>,
        %swap3A_157 = vector.shape_cast %swap3A_156 : vector<1x128xf32> to vector<128xf32>
        %swap3A_158 = vector.shape_cast %mul3A_153 : vector<128xf32> to vector<1x128xf32>
        tpu.vector_store %arg10[%swap3A_154, %swap3A_155], %swap3A_158 {strides = array<i32>} : memref<80x128xf32, #tpu.memory_space<vmem>>, vector<1x128xf32>,
        %mul3A_159 = arith.constant 16 : i32
        %mul3A_160 = arith.muli %scan3A_71, %mul3A_159 : i32
        %add3A_161 = arith.constant 5 : i32
        %add3A_162 = arith.addi %mul3A_160, %add3A_161 : i32
        %get3A_163 = arith.index_cast %add3A_162 : i32 to index
        %get3A_164 = arith.constant 0 : index
        %get3A_165 = tpu.vector_load %arg10[%get3A_163, %get3A_164] {strides = array<i32>} : memref<80x128xf32, #tpu.memory_space<vmem>>, vector<1x128xf32>,
        %get3A_166 = vector.shape_cast %get3A_165 : vector<1x128xf32> to vector<128xf32>
        %slice3A_167 = vector.extract_strided_slice %get3A_76 {offsets = [5], sizes = [1], strides = [1]} : vector<16xf32> to vector<1xf32>
        %squeeze3A_168 = vector.extract %slice3A_167[0] : f32 from vector<1xf32>
        %mul3A_169 = vector.broadcast %squeeze3A_168 : f32 to vector<128xf32>
        %mul3A_170 = arith.mulf %get3A_166, %mul3A_169 : vector<128xf32>
        %swap3A_171 = arith.index_cast %add3A_162 : i32 to index
        %swap3A_172 = arith.constant 0 : index
        %swap3A_173 = tpu.vector_load %arg10[%swap3A_171, %swap3A_172] {strides = array<i32>} : memref<80x128xf32, #tpu.memory_space<vmem>>, vector<1x128xf32>,
        %swap3A_174 = vector.shape_cast %swap3A_173 : vector<1x128xf32> to vector<128xf32>
        %swap3A_175 = vector.shape_cast %mul3A_170 : vector<128xf32> to vector<1x128xf32>
        tpu.vector_store %arg10[%swap3A_171, %swap3A_172], %swap3A_175 {strides = array<i32>} : memref<80x128xf32, #tpu.memory_space<vmem>>, vector<1x128xf32>,
        %mul3A_176 = arith.constant 16 : i32
        %mul3A_177 = arith.muli %scan3A_71, %mul3A_176 : i32
        %add3A_178 = arith.constant 6 : i32
        %add3A_179 = arith.addi %mul3A_177, %add3A_178 : i32
        %get3A_180 = arith.index_cast %add3A_179 : i32 to index
        %get3A_181 = arith.constant 0 : index
        %get3A_182 = tpu.vector_load %arg10[%get3A_180, %get3A_181] {strides = array<i32>} : memref<80x128xf32, #tpu.memory_space<vmem>>, vector<1x128xf32>,
        %get3A_183 = vector.shape_cast %get3A_182 : vector<1x128xf32> to vector<128xf32>
        %slice3A_184 = vector.extract_strided_slice %get3A_76 {offsets = [6], sizes = [1], strides = [1]} : vector<16xf32> to vector<1xf32>
        %squeeze3A_185 = vector.extract %slice3A_184[0] : f32 from vector<1xf32>
        %mul3A_186 = vector.broadcast %squeeze3A_185 : f32 to vector<128xf32>
        %mul3A_187 = arith.mulf %get3A_183, %mul3A_186 : vector<128xf32>
        %swap3A_188 = arith.index_cast %add3A_179 : i32 to index
        %swap3A_189 = arith.constant 0 : index
        %swap3A_190 = tpu.vector_load %arg10[%swap3A_188, %swap3A_189] {strides = array<i32>} : memref<80x128xf32, #tpu.memory_space<vmem>>, vector<1x128xf32>,
        %swap3A_191 = vector.shape_cast %swap3A_190 : vector<1x128xf32> to vector<128xf32>
        %swap3A_192 = vector.shape_cast %mul3A_187 : vector<128xf32> to vector<1x128xf32>
        tpu.vector_store %arg10[%swap3A_188, %swap3A_189], %swap3A_192 {strides = array<i32>} : memref<80x128xf32, #tpu.memory_space<vmem>>, vector<1x128xf32>,
        %mul3A_193 = arith.constant 16 : i32
        %mul3A_194 = arith.muli %scan3A_71, %mul3A_193 : i32
        %add3A_195 = arith.constant 7 : i32
        %add3A_196 = arith.addi %mul3A_194, %add3A_195 : i32
        %get3A_197 = arith.index_cast %add3A_196 : i32 to index
        %get3A_198 = arith.constant 0 : index
        %get3A_199 = tpu.vector_load %arg10[%get3A_197, %get3A_198] {strides = array<i32>} : memref<80x128xf32, #tpu.memory_space<vmem>>, vector<1x128xf32>,
        %get3A_200 = vector.shape_cast %get3A_199 : vector<1x128xf32> to vector<128xf32>
        %slice3A_201 = vector.extract_strided_slice %get3A_76 {offsets = [7], sizes = [1], strides = [1]} : vector<16xf32> to vector<1xf32>
        %squeeze3A_202 = vector.extract %slice3A_201[0] : f32 from vector<1xf32>
        %mul3A_203 = vector.broadcast %squeeze3A_202 : f32 to vector<128xf32>
        %mul3A_204 = arith.mulf %get3A_200, %mul3A_203 : vector<128xf32>
        %swap3A_205 = arith.index_cast %add3A_196 : i32 to index
        %swap3A_206 = arith.constant 0 : index
        %swap3A_207 = tpu.vector_load %arg10[%swap3A_205, %swap3A_206] {strides = array<i32>} : memref<80x128xf32, #tpu.memory_space<vmem>>, vector<1x128xf32>,
        %swap3A_208 = vector.shape_cast %swap3A_207 : vector<1x128xf32> to vector<128xf32>
        %swap3A_209 = vector.shape_cast %mul3A_204 : vector<128xf32> to vector<1x128xf32>
        tpu.vector_store %arg10[%swap3A_205, %swap3A_206], %swap3A_209 {strides = array<i32>} : memref<80x128xf32, #tpu.memory_space<vmem>>, vector<1x128xf32>,
        %mul3A_210 = arith.constant 16 : i32
        %mul3A_211 = arith.muli %scan3A_71, %mul3A_210 : i32
        %add3A_212 = arith.constant 8 : i32
        %add3A_213 = arith.addi %mul3A_211, %add3A_212 : i32
        %get3A_214 = arith.index_cast %add3A_213 : i32 to index
        %get3A_215 = arith.constant 0 : index
        %get3A_216 = tpu.vector_load %arg10[%get3A_214, %get3A_215] {strides = array<i32>} : memref<80x128xf32, #tpu.memory_space<vmem>>, vector<1x128xf32>,
        %get3A_217 = vector.shape_cast %get3A_216 : vector<1x128xf32> to vector<128xf32>
        %slice3A_218 = vector.extract_strided_slice %get3A_76 {offsets = [8], sizes = [1], strides = [1]} : vector<16xf32> to vector<1xf32>
        %squeeze3A_219 = vector.extract %slice3A_218[0] : f32 from vector<1xf32>
        %mul3A_220 = vector.broadcast %squeeze3A_219 : f32 to vector<128xf32>
        %mul3A_221 = arith.mulf %get3A_217, %mul3A_220 : vector<128xf32>
        %swap3A_222 = arith.index_cast %add3A_213 : i32 to index
        %swap3A_223 = arith.constant 0 : index
        %swap3A_224 = tpu.vector_load %arg10[%swap3A_222, %swap3A_223] {strides = array<i32>} : memref<80x128xf32, #tpu.memory_space<vmem>>, vector<1x128xf32>,
        %swap3A_225 = vector.shape_cast %swap3A_224 : vector<1x128xf32> to vector<128xf32>
        %swap3A_226 = vector.shape_cast %mul3A_221 : vector<128xf32> to vector<1x128xf32>
        tpu.vector_store %arg10[%swap3A_222, %swap3A_223], %swap3A_226 {strides = array<i32>} : memref<80x128xf32, #tpu.memory_space<vmem>>, vector<1x128xf32>,
        %mul3A_227 = arith.constant 16 : i32
        %mul3A_228 = arith.muli %scan3A_71, %mul3A_227 : i32
        %add3A_229 = arith.constant 9 : i32
        %add3A_230 = arith.addi %mul3A_228, %add3A_229 : i32
        %get3A_231 = arith.index_cast %add3A_230 : i32 to index
        %get3A_232 = arith.constant 0 : index
        %get3A_233 = tpu.vector_load %arg10[%get3A_231, %get3A_232] {strides = array<i32>} : memref<80x128xf32, #tpu.memory_space<vmem>>, vector<1x128xf32>,
        %get3A_234 = vector.shape_cast %get3A_233 : vector<1x128xf32> to vector<128xf32>
        %slice3A_235 = vector.extract_strided_slice %get3A_76 {offsets = [9], sizes = [1], strides = [1]} : vector<16xf32> to vector<1xf32>
        %squeeze3A_236 = vector.extract %slice3A_235[0] : f32 from vector<1xf32>
        %mul3A_237 = vector.broadcast %squeeze3A_236 : f32 to vector<128xf32>
        %mul3A_238 = arith.mulf %get3A_234, %mul3A_237 : vector<128xf32>
        %swap3A_239 = arith.index_cast %add3A_230 : i32 to index
        %swap3A_240 = arith.constant 0 : index
        %swap3A_241 = tpu.vector_load %arg10[%swap3A_239, %swap3A_240] {strides = array<i32>} : memref<80x128xf32, #tpu.memory_space<vmem>>, vector<1x128xf32>,
        %swap3A_242 = vector.shape_cast %swap3A_241 : vector<1x128xf32> to vector<128xf32>
        %swap3A_243 = vector.shape_cast %mul3A_238 : vector<128xf32> to vector<1x128xf32>
        tpu.vector_store %arg10[%swap3A_239, %swap3A_240], %swap3A_243 {strides = array<i32>} : memref<80x128xf32, #tpu.memory_space<vmem>>, vector<1x128xf32>,
        %mul3A_244 = arith.constant 16 : i32
        %mul3A_245 = arith.muli %scan3A_71, %mul3A_244 : i32
        %add3A_246 = arith.constant 10 : i32
        %add3A_247 = arith.addi %mul3A_245, %add3A_246 : i32
        %get3A_248 = arith.index_cast %add3A_247 : i32 to index
        %get3A_249 = arith.constant 0 : index
        %get3A_250 = tpu.vector_load %arg10[%get3A_248, %get3A_249] {strides = array<i32>} : memref<80x128xf32, #tpu.memory_space<vmem>>, vector<1x128xf32>,
        %get3A_251 = vector.shape_cast %get3A_250 : vector<1x128xf32> to vector<128xf32>
        %slice3A_252 = vector.extract_strided_slice %get3A_76 {offsets = [10], sizes = [1], strides = [1]} : vector<16xf32> to vector<1xf32>
        %squeeze3A_253 = vector.extract %slice3A_252[0] : f32 from vector<1xf32>
        %mul3A_254 = vector.broadcast %squeeze3A_253 : f32 to vector<128xf32>
        %mul3A_255 = arith.mulf %get3A_251, %mul3A_254 : vector<128xf32>
        %swap3A_256 = arith.index_cast %add3A_247 : i32 to index
        %swap3A_257 = arith.constant 0 : index
        %swap3A_258 = tpu.vector_load %arg10[%swap3A_256, %swap3A_257] {strides = array<i32>} : memref<80x128xf32, #tpu.memory_space<vmem>>, vector<1x128xf32>,
        %swap3A_259 = vector.shape_cast %swap3A_258 : vector<1x128xf32> to vector<128xf32>
        %swap3A_260 = vector.shape_cast %mul3A_255 : vector<128xf32> to vector<1x128xf32>
        tpu.vector_store %arg10[%swap3A_256, %swap3A_257], %swap3A_260 {strides = array<i32>} : memref<80x128xf32, #tpu.memory_space<vmem>>, vector<1x128xf32>,
        %mul3A_261 = arith.constant 16 : i32
        %mul3A_262 = arith.muli %scan3A_71, %mul3A_261 : i32
        %add3A_263 = arith.constant 11 : i32
        %add3A_264 = arith.addi %mul3A_262, %add3A_263 : i32
        %get3A_265 = arith.index_cast %add3A_264 : i32 to index
        %get3A_266 = arith.constant 0 : index
        %get3A_267 = tpu.vector_load %arg10[%get3A_265, %get3A_266] {strides = array<i32>} : memref<80x128xf32, #tpu.memory_space<vmem>>, vector<1x128xf32>,
        %get3A_268 = vector.shape_cast %get3A_267 : vector<1x128xf32> to vector<128xf32>
        %slice3A_269 = vector.extract_strided_slice %get3A_76 {offsets = [11], sizes = [1], strides = [1]} : vector<16xf32> to vector<1xf32>
        %squeeze3A_270 = vector.extract %slice3A_269[0] : f32 from vector<1xf32>
        %mul3A_271 = vector.broadcast %squeeze3A_270 : f32 to vector<128xf32>
        %mul3A_272 = arith.mulf %get3A_268, %mul3A_271 : vector<128xf32>
        %swap3A_273 = arith.index_cast %add3A_264 : i32 to index
        %swap3A_274 = arith.constant 0 : index
        %swap3A_275 = tpu.vector_load %arg10[%swap3A_273, %swap3A_274] {strides = array<i32>} : memref<80x128xf32, #tpu.memory_space<vmem>>, vector<1x128xf32>,
        %swap3A_276 = vector.shape_cast %swap3A_275 : vector<1x128xf32> to vector<128xf32>
        %swap3A_277 = vector.shape_cast %mul3A_272 : vector<128xf32> to vector<1x128xf32>
        tpu.vector_store %arg10[%swap3A_273, %swap3A_274], %swap3A_277 {strides = array<i32>} : memref<80x128xf32, #tpu.memory_space<vmem>>, vector<1x128xf32>,
        %mul3A_278 = arith.constant 16 : i32
        %mul3A_279 = arith.muli %scan3A_71, %mul3A_278 : i32
        %add3A_280 = arith.constant 12 : i32
        %add3A_281 = arith.addi %mul3A_279, %add3A_280 : i32
        %get3A_282 = arith.index_cast %add3A_281 : i32 to index
        %get3A_283 = arith.constant 0 : index
        %get3A_284 = tpu.vector_load %arg10[%get3A_282, %get3A_283] {strides = array<i32>} : memref<80x128xf32, #tpu.memory_space<vmem>>, vector<1x128xf32>,
        %get3A_285 = vector.shape_cast %get3A_284 : vector<1x128xf32> to vector<128xf32>
        %slice3A_286 = vector.extract_strided_slice %get3A_76 {offsets = [12], sizes = [1], strides = [1]} : vector<16xf32> to vector<1xf32>
        %squeeze3A_287 = vector.extract %slice3A_286[0] : f32 from vector<1xf32>
        %mul3A_288 = vector.broadcast %squeeze3A_287 : f32 to vector<128xf32>
        %mul3A_289 = arith.mulf %get3A_285, %mul3A_288 : vector<128xf32>
        %swap3A_290 = arith.index_cast %add3A_281 : i32 to index
        %swap3A_291 = arith.constant 0 : index
        %swap3A_292 = tpu.vector_load %arg10[%swap3A_290, %swap3A_291] {strides = array<i32>} : memref<80x128xf32, #tpu.memory_space<vmem>>, vector<1x128xf32>,
        %swap3A_293 = vector.shape_cast %swap3A_292 : vector<1x128xf32> to vector<128xf32>
        %swap3A_294 = vector.shape_cast %mul3A_289 : vector<128xf32> to vector<1x128xf32>
        tpu.vector_store %arg10[%swap3A_290, %swap3A_291], %swap3A_294 {strides = array<i32>} : memref<80x128xf32, #tpu.memory_space<vmem>>, vector<1x128xf32>,
        %mul3A_295 = arith.constant 16 : i32
        %mul3A_296 = arith.muli %scan3A_71, %mul3A_295 : i32
        %add3A_297 = arith.constant 13 : i32
        %add3A_298 = arith.addi %mul3A_296, %add3A_297 : i32
        %get3A_299 = arith.index_cast %add3A_298 : i32 to index
        %get3A_300 = arith.constant 0 : index
        %get3A_301 = tpu.vector_load %arg10[%get3A_299, %get3A_300] {strides = array<i32>} : memref<80x128xf32, #tpu.memory_space<vmem>>, vector<1x128xf32>,
        %get3A_302 = vector.shape_cast %get3A_301 : vector<1x128xf32> to vector<128xf32>
        %slice3A_303 = vector.extract_strided_slice %get3A_76 {offsets = [13], sizes = [1], strides = [1]} : vector<16xf32> to vector<1xf32>
        %squeeze3A_304 = vector.extract %slice3A_303[0] : f32 from vector<1xf32>
        %mul3A_305 = vector.broadcast %squeeze3A_304 : f32 to vector<128xf32>
        %mul3A_306 = arith.mulf %get3A_302, %mul3A_305 : vector<128xf32>
        %swap3A_307 = arith.index_cast %add3A_298 : i32 to index
        %swap3A_308 = arith.constant 0 : index
        %swap3A_309 = tpu.vector_load %arg10[%swap3A_307, %swap3A_308] {strides = array<i32>} : memref<80x128xf32, #tpu.memory_space<vmem>>, vector<1x128xf32>,
        %swap3A_310 = vector.shape_cast %swap3A_309 : vector<1x128xf32> to vector<128xf32>
        %swap3A_311 = vector.shape_cast %mul3A_306 : vector<128xf32> to vector<1x128xf32>
        tpu.vector_store %arg10[%swap3A_307, %swap3A_308], %swap3A_311 {strides = array<i32>} : memref<80x128xf32, #tpu.memory_space<vmem>>, vector<1x128xf32>,
        %mul3A_312 = arith.constant 16 : i32
        %mul3A_313 = arith.muli %scan3A_71, %mul3A_312 : i32
        %add3A_314 = arith.constant 14 : i32
        %add3A_315 = arith.addi %mul3A_313, %add3A_314 : i32
        %get3A_316 = arith.index_cast %add3A_315 : i32 to index
        %get3A_317 = arith.constant 0 : index
        %get3A_318 = tpu.vector_load %arg10[%get3A_316, %get3A_317] {strides = array<i32>} : memref<80x128xf32, #tpu.memory_space<vmem>>, vector<1x128xf32>,
        %get3A_319 = vector.shape_cast %get3A_318 : vector<1x128xf32> to vector<128xf32>
        %slice3A_320 = vector.extract_strided_slice %get3A_76 {offsets = [14], sizes = [1], strides = [1]} : vector<16xf32> to vector<1xf32>
        %squeeze3A_321 = vector.extract %slice3A_320[0] : f32 from vector<1xf32>
        %mul3A_322 = vector.broadcast %squeeze3A_321 : f32 to vector<128xf32>
        %mul3A_323 = arith.mulf %get3A_319, %mul3A_322 : vector<128xf32>
        %swap3A_324 = arith.index_cast %add3A_315 : i32 to index
        %swap3A_325 = arith.constant 0 : index
        %swap3A_326 = tpu.vector_load %arg10[%swap3A_324, %swap3A_325] {strides = array<i32>} : memref<80x128xf32, #tpu.memory_space<vmem>>, vector<1x128xf32>,
        %swap3A_327 = vector.shape_cast %swap3A_326 : vector<1x128xf32> to vector<128xf32>
        %swap3A_328 = vector.shape_cast %mul3A_323 : vector<128xf32> to vector<1x128xf32>
        tpu.vector_store %arg10[%swap3A_324, %swap3A_325], %swap3A_328 {strides = array<i32>} : memref<80x128xf32, #tpu.memory_space<vmem>>, vector<1x128xf32>,
        %mul3A_329 = arith.constant 16 : i32
        %mul3A_330 = arith.muli %scan3A_71, %mul3A_329 : i32
        %add3A_331 = arith.constant 15 : i32
        %add3A_332 = arith.addi %mul3A_330, %add3A_331 : i32
        %get3A_333 = arith.index_cast %add3A_332 : i32 to index
        %get3A_334 = arith.constant 0 : index
        %get3A_335 = tpu.vector_load %arg10[%get3A_333, %get3A_334] {strides = array<i32>} : memref<80x128xf32, #tpu.memory_space<vmem>>, vector<1x128xf32>,
        %get3A_336 = vector.shape_cast %get3A_335 : vector<1x128xf32> to vector<128xf32>
        %slice3A_337 = vector.extract_strided_slice %get3A_76 {offsets = [15], sizes = [1], strides = [1]} : vector<16xf32> to vector<1xf32>
        %squeeze3A_338 = vector.extract %slice3A_337[0] : f32 from vector<1xf32>
        %mul3A_339 = vector.broadcast %squeeze3A_338 : f32 to vector<128xf32>
        %mul3A_340 = arith.mulf %get3A_336, %mul3A_339 : vector<128xf32>
        %swap3A_341 = arith.index_cast %add3A_332 : i32 to index
        %swap3A_342 = arith.constant 0 : index
        %swap3A_343 = tpu.vector_load %arg10[%swap3A_341, %swap3A_342] {strides = array<i32>} : memref<80x128xf32, #tpu.memory_space<vmem>>, vector<1x128xf32>,
        %swap3A_344 = vector.shape_cast %swap3A_343 : vector<1x128xf32> to vector<128xf32>
        %swap3A_345 = vector.shape_cast %mul3A_340 : vector<128xf32> to vector<1x128xf32>
        tpu.vector_store %arg10[%swap3A_341, %swap3A_342], %swap3A_345 {strides = array<i32>} : memref<80x128xf32, #tpu.memory_space<vmem>>, vector<1x128xf32>,
        %scan3A_346 = arith.constant 0 : i32
        scf.yield %scan3A_346 : i32
      }
      %scan3A_69 = arith.constant 5 : i32
      "tpu.region"() ({
        %run_scoped3A = tpu.sem_alloc : memref<!tpu.dma_semaphore, #tpu.memory_space<semaphore_mem>>
        %dma_start3A_71 = arith.constant 0 : i32
        %dma_start3A_72 = arith.constant 0 : i32
        %dma_start3A_73 = tpu.memref_slice %arg11[%dma_start3A_71, %dma_start3A_72] : memref<10112x128xf32, #tpu.memory_space<vmem_shared>> -> memref<10112x128xf32, #tpu.memory_space<vmem_shared>>
        tpu.enqueue_indirect_dma source(%arg10 : memref<80x128xf32, #tpu.memory_space<vmem>>) target(%dma_start3A_73 : memref<10112x128xf32, #tpu.memory_space<vmem_shared>>) offsets(%arg8 : memref<80xi32, #tpu.memory_space<vmem>>) semaphore(%run_scoped3A : memref<!tpu.dma_semaphore, #tpu.memory_space<semaphore_mem>>) {add = true}
        %dma_wait3A_74 = arith.constant 0 : i32
        %dma_wait3A_75 = arith.constant 0 : i32
        %dma_wait3A_76 = tpu.memref_slice %arg11[%dma_wait3A_74, %dma_wait3A_75] : memref<10112x128xf32, #tpu.memory_space<vmem_shared>> -> memref<10112x128xf32, #tpu.memory_space<vmem_shared>>
        tpu.wait_indirect_dma semaphore(%run_scoped3A : memref<!tpu.dma_semaphore, #tpu.memory_space<semaphore_mem>>) src(%arg10 : memref<80x128xf32, #tpu.memory_space<vmem>>) dst(%dma_wait3A_76 : memref<10112x128xf32, #tpu.memory_space<vmem_shared>>)
        tpu.yield
      }) : () -> ()
      %scan3A_70 = arith.constant 0 : i32
      scf.yield %scan3A_70 : i32
    }
    %scan3A_46 = arith.constant 125 : i32
    %barrier3A_47 = arith.constant 0 : index
    tpu.barrier barrier_id(%barrier3A_47)
    %mul3A_48 = arith.constant 632 : i32
    %mul3A_49 = arith.muli %arg1, %mul3A_48 : i32
    %mul3A_50 = arith.constant 632 : i32
    %mul3A_51 = arith.muli %arg1, %mul3A_50 : i32
    "tpu.region"() ({
      %run_scoped3A = tpu.sem_alloc : memref<!tpu.dma_semaphore, #tpu.memory_space<semaphore_mem>>
      %dma_start3A = arith.constant 0 : i32
      %dma_start3A_52 = tpu.memref_slice %arg6[%arg0, %mul3A_51, %dma_start3A] : memref<2x10112x128xf32, #tpu.memory_space<hbm>> -> memref<1x632x128xf32, #tpu.memory_space<hbm>>
      %dma_start3A_53 = tpu.memref_squeeze %dma_start3A_52 : memref<1x632x128xf32, #tpu.memory_space<hbm>> -> memref<632x128xf32, #tpu.memory_space<hbm>>
      %dma_start3A_54 = arith.constant 0 : i32
      %dma_start3A_55 = tpu.memref_slice %arg11[%mul3A_49, %dma_start3A_54] : memref<10112x128xf32, #tpu.memory_space<vmem_shared>> -> memref<632x128xf32, #tpu.memory_space<vmem_shared>>
      tpu.enqueue_dma source(%dma_start3A_55 : memref<632x128xf32, #tpu.memory_space<vmem_shared>>) target(%dma_start3A_53 : memref<632x128xf32, #tpu.memory_space<hbm>>) target_semaphore(%run_scoped3A : memref<!tpu.dma_semaphore, #tpu.memory_space<semaphore_mem>>)
      %dma_wait3A = arith.constant 0 : i32
      %dma_wait3A_56 = tpu.memref_slice %arg6[%arg0, %mul3A_51, %dma_wait3A] : memref<2x10112x128xf32, #tpu.memory_space<hbm>> -> memref<1x632x128xf32, #tpu.memory_space<hbm>>
      %dma_wait3A_57 = tpu.memref_squeeze %dma_wait3A_56 : memref<1x632x128xf32, #tpu.memory_space<hbm>> -> memref<632x128xf32, #tpu.memory_space<hbm>>
      %dma_wait3A_58 = arith.constant 0 : i32
      %dma_wait3A_59 = tpu.memref_slice %arg11[%mul3A_49, %dma_wait3A_58] : memref<10112x128xf32, #tpu.memory_space<vmem_shared>> -> memref<632x128xf32, #tpu.memory_space<vmem_shared>>
      tpu.wait_dma2 semaphore(%run_scoped3A : memref<!tpu.dma_semaphore, #tpu.memory_space<semaphore_mem>>) src(%dma_wait3A_59 : memref<632x128xf32, #tpu.memory_space<vmem_shared>>) dst(%dma_wait3A_57 : memref<632x128xf32, #tpu.memory_space<hbm>>)
      tpu.yield
    }) : () -> ()
    return
  }
}

module attributes {stable_mosaic.version = 14 : i64} {
  func.func @body(%arg0: i32, %arg1: memref<2x632x128xf32, #tpu.memory_space<vmem>>, %arg2: memref<128x128xf32, #tpu.memory_space<vmem>>, %arg3: memref<632x128xf32, #tpu.memory_space<vmem>>) attributes {dimension_semantics = [#tpu.dimension_semantics<arbitrary>], iteration_bounds = array<i64: 16>, scalar_prefetch = 0 : i64, scratch_operands = 0 : i64, tpu.core_type = #tpu.core_type<tc>, window_params = [{transform_indices = @transform_0, window_bounds = array<i64: 2, 632, 128>}, {pipeline_mode = #tpu.pipeline_mode<synchronous>, transform_indices = @transform_1, window_bounds = array<i64: 128, 128>}, {transform_indices = @transform_2, window_bounds = array<i64: 632, 128>}]} {
    %get3A = arith.constant 0 : index
    %get3A_0 = arith.constant 0 : index
    %get3A_1 = arith.constant 0 : index
    %get3A_2 = vector.load %arg1[%get3A, %get3A_0, %get3A_1] : memref<2x632x128xf32, #tpu.memory_space<vmem>>, vector<1x632x128xf32>
    %get3A_3 = vector.shape_cast %get3A_2 : vector<1x632x128xf32> to vector<632x128xf32>
    %get3A_4 = arith.constant 1 : index
    %get3A_5 = arith.constant 0 : index
    %get3A_6 = arith.constant 0 : index
    %get3A_7 = vector.load %arg1[%get3A_4, %get3A_5, %get3A_6] : memref<2x632x128xf32, #tpu.memory_space<vmem>>, vector<1x632x128xf32>
    %get3A_8 = vector.shape_cast %get3A_7 : vector<1x632x128xf32> to vector<632x128xf32>
    %add3A = arith.addf %get3A_3, %get3A_8 : vector<632x128xf32>
    %get3A_9 = arith.constant 0 : index
    %get3A_10 = arith.constant 0 : index
    %get3A_11 = vector.load %arg2[%get3A_9, %get3A_10] : memref<128x128xf32, #tpu.memory_space<vmem>>, vector<128x128xf32>
    %dot_general3A = arith.constant dense<0.000000e+00> : vector<632x128xf32>
    %dot_general3A_12 = tpu.matmul %add3A, %get3A_11, %dot_general3A {dimension_numbers = #tpu.dot_dimension_numbers<[1], [0], [0], [1], [0, 0, 1, 1], [], []>, transpose_lhs_hint = false} : vector<632x128xf32>, vector<128x128xf32>, vector<632x128xf32> -> vector<632x128xf32>
    %swap3A = arith.constant 0 : index
    %swap3A_13 = arith.constant 0 : index
    %swap3A_14 = vector.load %arg3[%swap3A, %swap3A_13] : memref<632x128xf32, #tpu.memory_space<vmem>>, vector<632x128xf32>
    tpu.vector_store %arg3[%swap3A, %swap3A_13], %dot_general3A_12 {strides = array<i32>} : memref<632x128xf32, #tpu.memory_space<vmem>>, vector<632x128xf32>,
    return
  }
  func.func @transform_0(%arg0: i32) -> (i32, i32, i32) {
    %c0_i32 = arith.constant 0 : i32
    %c0_i32_0 = arith.constant 0 : i32
    %c0_i32_1 = arith.constant 0 : i32
    return %c0_i32, %arg0, %c0_i32_0 : i32, i32, i32
  }
  func.func @transform_1(%arg0: i32) -> (i32, i32) {
    %c0_i32 = arith.constant 0 : i32
    %c0_i32_0 = arith.constant 0 : i32
    %c0_i32_1 = arith.constant 0 : i32
    return %c0_i32, %c0_i32_0 : i32, i32
  }
  func.func @transform_2(%arg0: i32) -> (i32, i32) {
    %c0_i32 = arith.constant 0 : i32
    %c0_i32_0 = arith.constant 0 : i32
    return %arg0, %c0_i32 : i32, i32
  }
}

</mosaic_0001>

<sc_bundles>
// kernel: kernel.4.cloned.1.call-start
scs
__scs_entry_jumppad:
0x0: {  	(pc) =	sbr.rel $0x88, $3  }
0x1: {  	(tag) =	ssettag $0x0;
	lr =	simm.s32 $0x1  }
0x2: {  	[smem:$0x3F9D] =	sst lr;
	_ =	strace $0xD0000000  }
0x3: {  	_ = 	snop  }
0x4: {  	_ = 	snop  }
0x5: {  	_ = 	snop  }
0x6: {  	_ = 	snop  }
0x7: {  	_ = 	snop  }
__scs_overlays_trampoline_lowered:
0x8: {  	[smem:$0x3FAC] =	sst s0  }
0x9: {  	[smem:$0x3FAD] =	sst s1  }
0xa: {  	[smem:$0x3FAE] =	sst s2  }
0xb: {  	[smem:$0x3FAF] =	sst s3  }
0xc: {  	[smem:$0x3FB0] =	sst s4  }
0xd: {  	[smem:$0x3FB1] =	sst s5  }
0xe: {  	[smem:$0x3FB2] =	sst s6  }
0xf: {  	[smem:$0x3FB3] =	sst s7  }
0x10: {  	[smem:$0x3FB4] =	sst s8  }
0x11: {  	[smem:$0x3FB5] =	sst s9;
	s0 =	simm.s32 @!p0 $0x0  }
0x12: {  	s1 =	sld [smem:$0x3F9B];
	s0 =	simm.s32 @p0 $0x1  }
0x13: {  	[smem:$0x3FB6] =	sst s0;
	s0 =	simm.s32 @!p1 $0x0  }
0x14: {  	s2 =	sld [smem:$0x3F9A];
	s0 =	simm.s32 @p1 $0x1  }
0x15: {  	[smem:$0x3FB7] =	sst s0;
	s0 =	simm.s32 @!p2 $0x0  }
0x16: {  	s3 =	sld [smem:$0x3FDB];
	s0 =	simm.s32 @p2 $0x1  }
0x17: {  	s4 =	simm.s32 $0x1BF5;
	[smem:$0x3FB9] =	sst s0  }
0x18: {  	s0 =	sld [smem:$0x3F9C];
	_ =	swait.ge [sflag:s4], $0x0  }
0x19: {  	s7 =	sld [smem:$0x3F9D]  }
0x1a: {  	s8 =	sadd.s32 $0xFFFFE003, lr  }
0x1b: {  	s9 =	sadd.s32 $0xFFFFFEF7, lr;
	s5 =	simm.s32 $0xFFFFFFFF;
	p2 =	slt.u32 s8, $0xFFFFF086  }
0x1c: {  	p1 =	slt.u32 s9, $0xF7A;
	s5 =	simm.s32 @!p2 $0x0  }
0x1d: {  	s5 =	simm.s32 @p1 $0x1;
	p0 =	seq.s32 s7, s2  }
0x1e: {  	s7 =	smul.u32 @!p0 $0xF7A, s2;
	p2 =	seq.s32 @!p0 s5, $0x0  }
0x1f: {  	s9 =	smul.u32 $0xF7A, s1;
	s8 =	simm.s32 @!p0 $0x1BF5;
	p2 =	por !p2, p0  }
0x20: {  	[sflag:s8] =	ssyncset.s32 @!p0 $0xFFFFF086;
	s6 =	sadd.s32 @!p0 s3, s7;
	s7 =	simm.s32 @!p0 $0x108  }
0x21: {  	s3 =	sadd.s32 s3, s9;
	s6 =	sadd.s32 @!p0 $0x88, s6;
	s7 =	simm.s32 @p2 $0x1082  }
0x22: {  	[simem:s7], [sflag:s8] =	dma.local @!p0 [hbm:s6], $0xF7A  }
0x23: {  	s9 =	sor.u32 $0xD0000000, s2;
	s6 =	simm.s32 $0x108;
	_ =	swait.ge @!p0 [sflag:s8], $0x0  }
0x24: {  	s3 =	sadd.s32 $0x88, s3;
	s6 =	simm.s32 @!p1 $0x1082;
	[sflag:s4] =	ssyncset.s32 $0xFFFFF086  }
0x25: {  	[simem:s6], [sflag:s4] =	dma.local [hbm:s3], $0xF7A  }
0x26: {  	[smem:$0x3F9D] =	sst s1;
	(tag) =	ssettag s2;
	_ =	strace s9  }
0x27: {  	s1 =	sld [smem:$0x3FAD]  }
0x28: {  	s2 =	sld [smem:$0x3FAE]  }
0x29: {  	s4 =	sld [smem:$0x3FB0]  }
0x2a: {  	p0 =	seq.s32 s5, $0x0;
	s5 =	sld [smem:$0x3FB1]  }
0x2b: {  	s6 =	sld [smem:$0x3FB2]  }
0x2c: {  	s7 =	sld [smem:$0x3FB3]  }
0x2d: {  	s3 =	simm.s32 $0x108;
	s8 =	sld [smem:$0x3FB4]  }
0x2e: {  	s3 =	simm.s32 @!p0 $0x1082;
	s9 =	sld [smem:$0x3FB5]  }
0x2f: {  	lr =	sadd.s32 s0, s3;
	s0 =	sld [smem:$0x3FAC]  }
0x30: {  	s3 =	sld [smem:$0x3FAF]  }
0x31: {  	[smem:$0x3FB8] =	sst s10  }
0x32: {  	s10 =	sld [smem:$0x3FB6];
	_ =	sdelay $0x3  }
0x33: {  	p0 =	seq.s32 s10, $0x1;
	s10 =	sld [smem:$0x3FB8];
	_ =	sdelay $0x3  }
0x34: {  	[smem:$0x3FB8] =	sst s10  }
0x35: {  	s10 =	sld [smem:$0x3FB7];
	_ =	sdelay $0x3  }
0x36: {  	p1 =	seq.s32 s10, $0x1;
	s10 =	sld [smem:$0x3FB8];
	_ =	sdelay $0x3  }
0x37: {  	[smem:$0x3FB8] =	sst s10  }
0x38: {  	s10 =	sld [smem:$0x3FB9]  }
0x39: {  	_ = 	snop;
	(pc) =	sbr.ind lr, $3  }
0x3a: {  	_ = 	snop  }
0x3b: {  	_ = 	snop  }
0x3c: {  	p2 =	seq.s32 s10, $0x1;
	s10 =	sld [smem:$0x3FB8]  }
0x3d: {  	_ =	shalt  }
0x3e: {  	_ =	shalt  }
0x3f: {  	_ =	shalt  }
0x40: {  	_ =	shalt  }
0x41: {  	_ =	shalt  }
0x42: {  	_ =	shalt  }
0x43: {  	_ =	shalt  }
0x44: {  	_ =	shalt  }
0x45: {  	_ =	shalt  }
0x46: {  	_ =	shalt  }
0x47: {  	_ =	shalt  }
0x48: {  	_ =	shalt  }
0x49: {  	_ =	shalt  }
0x4a: {  	_ =	shalt  }
0x4b: {  	_ =	shalt  }
0x4c: {  	_ =	shalt  }
0x4d: {  	_ =	shalt  }
0x4e: {  	_ =	shalt  }
0x4f: {  	_ =	shalt  }
0x50: {  	_ =	shalt  }
0x51: {  	_ =	shalt  }
0x52: {  	_ =	shalt  }
0x53: {  	_ =	shalt  }
0x54: {  	_ =	shalt  }
0x55: {  	_ =	shalt  }
0x56: {  	_ =	shalt  }
0x57: {  	_ =	shalt  }
0x58: {  	_ =	shalt  }
0x59: {  	_ =	shalt  }
0x5a: {  	_ =	shalt  }
0x5b: {  	_ =	shalt  }
0x5c: {  	_ =	shalt  }
0x5d: {  	_ =	shalt  }
0x5e: {  	_ =	shalt  }
0x5f: {  	_ =	shalt  }
0x60: {  	_ =	shalt  }
0x61: {  	_ =	shalt  }
0x62: {  	_ =	shalt  }
0x63: {  	_ =	shalt  }
0x64: {  	_ =	shalt  }
0x65: {  	_ =	shalt  }
0x66: {  	_ =	shalt  }
0x67: {  	_ =	shalt  }
0x68: {  	_ =	shalt  }
0x69: {  	_ =	shalt  }
0x6a: {  	_ =	shalt  }
0x6b: {  	_ =	shalt  }
0x6c: {  	_ =	shalt  }
0x6d: {  	_ =	shalt  }
0x6e: {  	_ =	shalt  }
0x6f: {  	_ =	shalt  }
0x70: {  	_ =	shalt  }
0x71: {  	_ =	shalt  }
0x72: {  	_ =	shalt  }
0x73: {  	_ =	shalt  }
0x74: {  	_ =	shalt  }
0x75: {  	_ =	shalt  }
0x76: {  	_ =	shalt  }
0x77: {  	_ =	shalt  }
0x78: {  	_ =	shalt  }
0x79: {  	_ =	shalt  }
0x7a: {  	_ =	shalt  }
0x7b: {  	_ =	shalt  }
0x7c: {  	_ =	shalt  }
0x7d: {  	_ =	shalt  }
0x7e: {  	_ =	shalt  }
0x7f: {  	_ =	shalt  }
0x80: {  	_ =	shalt  }
0x81: {  	_ =	shalt  }
0x82: {  	_ =	shalt  }
0x83: {  	_ =	shalt  }
0x84: {  	_ =	shalt  }
0x85: {  	_ =	shalt  }
0x86: {  	_ =	shalt  }
0x87: {  	_ =	shalt  }
.Lfunc_end0:
.L_simem_size_0:
called_computation_lowered:
.L_overlay_start_0:
0x88: {  	s2 =	sld [smem:$0x3FD9]  }
0x89: {  	s3 =	sld [smem:$0x3FFE];
	_ =	sdelay $0x1  }
0x8a: {  	s1 =	srdreg.scid  }
0x8b: {  	s0 =	sand.u32 $0x1, s1  }
0x8c: {  	s17 =	sshll.u32 s0, $0xA;
	s2 =	sadd.s32 s3, s2  }
0x8d: {  	s2 =	sadd.s32 s2, s17  }
0x8e: {  	[smem:$0x3FC4] =	sst s2  }
0x8f: {  	_ = 	snop  }
0x90: {  	s2 =	sld [smem:$0x3FC7]  }
0x91: {  	s18 =	sld [smem:$0x3FD0];
	(tm) =	ssettm $0x1  }
0x92: {  	s4 =	sld [smem:$0x3FFB];
	_ =	sdelay $0x3  }
0x93: {  	_ =	strace s4  }
0x94: {  	s4 =	sld [smem:$0x3FFC];
	_ =	sdelay $0x3  }
0x95: {  	_ =	strace s4  }
0x96: {  	s4 =	sld [smem:$0x3FFD];
	_ =	sdelay $0x3  }
0x97: {  	_ =	strace s4  }
0x98: {  	_ =	strace $0x8FFFFFFF  }
0x99: {  	s19 =	sld [smem:$0x3FDB];
	_ =	sdelay $0x1  }
0x9a: {  	s5 =	simm.s32 $_scs_section_size  }
0x9b: {  	s6 =	simm.s32 $_size__tile_overlayer_lowered;
	s7 =	simm.s32 $_tile_overlayer_lowered  }
0x9c: {  	s22 =	simm.s32 $0x1BFF;
	s21 =	sshll.u32 s7, $0x1;
	s4 =	sadd.s32 s5, s19  }
0x9d: {  	s8 =	simm.s32 $0x0;
	s20 =	sshll.u32 s6, $0x1;
	s6 =	sadd.s32 s21, s4  }
0x9e: {  	[timem:s8], [sflag:s22] =	dma.local [hbm:s6], s20  }
0x9f: {  	_ =	swait.ge [sflag:s22], s20  }
0xa0: {  	s5 =	ssub.s32 $0x0, s20;
	[sflag:s22] =	ssyncset.done $0x0  }
0xa1: {  	[sflag:s22] =	ssyncadd.s32 s5;
	_ =	sdelay $0x1  }
0xa2: {  	s23 =	simm.s32 $0x1B8B  }
0xa3: {  	_ =	swait.ge [sflag:s23], $0x1  }
0xa4: {  	[sflag:s23] =	ssyncset.done $0x0  }
0xa5: {  	s25 =	simm.s32 $0x1B8E;
	s24 =	sld [smem:$0x3FFE];
	[sflag:s23] =	ssyncadd.s32 $0xFFFFFFFF  }
0xa6: {  	s26 =	simm.s32 $execute0_lowered;
	[smem:$0x3FD2] =	sst s25  }
0xa7: {  	s6 =	sshll.u32 s26, $0x1;
	_ =	strace $0x80000046;
	[dreg:$0x1] =	wrdreg $0xFFFFFFFF  }
0xa8: {  	s28 =	simm.s32 $_size_execute0_lowered;
	s4 =	sadd.s32 s4, s6;
	[dreg:$0x0] =	wrdreg $0x0  }
0xa9: {  	s6 =	sshll.u32 s28, $0x1;
	[dreg:$0x2] =	wrdreg s4  }
0xaa: {  	[dreg:$0x3] =	wrdreg s6  }
0xab: {  	[dreg:$0x4] =	wrdreg $0xC0  }
0xac: {  	_ =	task [dreg:s8], $0x5FFFF  }
0xad: {  	[dreg:$0x1] =	wrdreg $0xFFFFFFFF  }
0xae: {  	[dreg:$0x0] =	wrdreg $0x60  }
0xaf: {  	[dreg:$0x2] =	wrdreg s24  }
0xb0: {  	[dreg:$0x3] =	wrdreg s18  }
0xb1: {  	[dreg:$0x4] =	wrdreg s2  }
0xb2: {  	[dreg:$0x5] =	wrdreg $0x29800  }
0xb3: {  	[dreg:$0x6] =	wrdreg $0x9  }
0xb4: {  	_ =	task.clear_ibuf [dreg:s8], $0x7FFFF;
	_ =	strace $0x90000046  }
0xb5: {  	s29 =	simm.s32 $0x9;
	_ =	strace $0x80000048  }
0xb6: {  	_ =	swait.ge [sflag:s29], $0x1  }
0xb7: {  	[sflag:s29] =	ssyncadd.s32 $0xFFFFFFFF  }
0xb8: {  	_ =	strace $0x90000048  }
0xb9: {  	_ =	sfence  }
0xba: {  	s30 =	sld [smem:$0x0];
	_ =	sdelay $0x2  }
0xbb: {  	s31 =	sshll.u32 s1, $0xD;
	s1 =	sshrl.u32 s1, $0x2  }
0xbc: {  	s3 =	sand.u32 $0x4000, s31;
	s1 =	sadd.s32 s1, s30  }
0xbd: {  	s0 =	sor.u32 s3, s0;
	s1 =	sshll.u32 s1, $0x11  }
0xbe: {  	s0 =	sor.u32 s1, s0  }
0xbf: {  	s0 =	sadd.s32 $0x8F2B, s0  }
0xc0: {  	[sflag:s0] =	ssyncadd.remote.s32 $0x1  }
0xc1: {  	_ =	sfence.sel $0xFFFF  }
0xc2: {  	[dreg:$0x0] =	wrdreg $0xFFFFFFFF;
	(pc) =	sbr.abs _section_cstart, $3  }
0xc3: {  	[dreg:$0x1] =	wrdreg $0xFFFFFFFF  }
0xc4: {  	_ =	task.clear_ibuf [dreg:s8], $0x2FFFF;
	_ =	strace $0x9FFFFFFF  }
0xc5: {  	(tm) =	ssettm $0x7FFFFFFF  }
tec
execute0_lowered:
.L_overlay_start_1:
0x0: {  	(tag) =	ssettag $0x1  }
0x1: {  	s8 =	rddreg [dreg:$0x0]  }
0x2: {  	s0 =	rddreg [dreg:$0x1]  }
0x3: {  	s3 =	rddreg [dreg:$0x2];
	s1 =	srdreg.scid  }
0x4: {  	s4 =	rddreg [dreg:$0x3];
	s2 =	stileid.u32  }
0x5: {  	s5 =	simm.s32 $0x0;
	s19 =	simm.s32 $0x180;
	s20 =	simm.s32 $0x2  }
0x6: {  	s21 =	simm.s32 $0x80;
	s22 =	simm.s32 $0x100;
	s23 =	simm.s32 $0x50  }
0x7: {  	s9 =	sand.u32 $0x1, s1;
	s1 =	rddreg [dreg:$0x4];
	s7 =	smul.u32 $0x13C00, s2  }
0x8: {  	s24 =	simm.s32 $0x1;
	[smem:$0x7FF] =	sst s5;
	s11 =	smul.u32 $0x4F000, s2  }
0x9: {  	s6 =	smul.u32 $0x13C000, s9;
	_ =	strace $0x80000047;
	s29 =	ssub.s32 $0x2, s9  }
0xa: {  	s9 =	sshll.u32 s9, $0x4;
	s30 =	sshrl.u32 s11, $0x2;
	s31 =	sshrl.u32 s29, $0x1  }
0xb: {  	s16 =	sor.u32 s2, s9;
	s10 =	sadd.s32 s7, s6;
	s6 =	sadd.s32 $0xA000, s8  }
0xc: {  	s7 =	sadd.s32 $0x200, s8;
	s18 =	ssub.s32 s29, s31;
	s10 =	sshrl.u32 s10, $0x3  }
0xd: {  	s16 =	smul.u32 $0x2710, s16;
	s17 =	sadd.s32 s10, s8;
	s8 =	sadd.s32 s30, s4  }
0xe: {  	s18 =	smax.u32 s18, $0x1;
	s9 =	sadd.s32 $0x2800, s8;
	s10 =	sadd.s32 $0x5000, s8  }
0xf: {  	s11 =	sadd.s32 $0x7800, s8;
	s12 =	sadd.s32 $0xA000, s8;
	s13 =	sadd.s32 $0xC800, s8  }
0x10: {  	v0 =	vimm.f32 $0.0e+00;
	s14 =	sadd.s32 $0xF000, s8;
	s15 =	sadd.s32 $0x11800, s8;
	s17 =	sadd.s32 $0x31800, s17  }
.LBB2_1:
0x11: {  	s25 =	simm.s32 $0x0;
	s26 =	simm.s32 $0x200  }
.LBB2_2:
0x12: {  	p0 =	sne.s32 s26, $0x9E00;
	[tilespmem:s25+$0x1F0] =	vst v0  }
0x13: {  	[tilespmem:s25+$0x180] =	vst v0  }
0x14: {  	[tilespmem:s25+$0x190] =	vst v0  }
.Ltmp0:
0x15: {  	[tilespmem:s25+$0x1A0] =	vst v0;
	(pc) =	sbr.rel @p0 .LBB2_2-.Ltmp0, $4  }
0x16: {  	[tilespmem:s25+$0x1B0] =	vst v0  }
0x17: {  	[tilespmem:s25+$0x1C0] =	vst v0  }
0x18: {  	[tilespmem:s25+$0x1D0] =	vst v0  }
0x19: {  	[tilespmem:s25+$0x1E0] =	vst v0;
	s25 =	sshra.s32 s26, $0x2;
	s26 =	sadd.s32 $0x200, s26  }
0x1a: {  	[tilespmem:s25+$0x1F0] =	vst v0  }
0x1b: {  	[tilespmem:s25+$0x180] =	vst v0  }
0x1c: {  	[tilespmem:s25+$0x190] =	vst v0  }
0x1d: {  	[tilespmem:s25+$0x1A0] =	vst v0  }
0x1e: {  	[tilespmem:s25+$0x1B0] =	vst v0  }
0x1f: {  	[tilespmem:s25+$0x1C0] =	vst v0  }
0x20: {  	[tilespmem:s25+$0x1D0] =	vst v0  }
0x21: {  	[tilespmem:s25+$0x1E0] =	vst v0  }
0x22: {  	[spmem:s8] =	stream.linear.scatter [tilespmem:s19], [sflag:$0x2], $0x2800, $0x38;
	[tilespmem:$0x16580] =	vst v63  }
0x23: {  	_ =	swait.ge [sflag:s20], $0x2800  }
0x24: {  	[sflag:s20] =	ssyncset.done $0x0  }
0x25: {  	[sflag:s20] =	ssyncadd.s32 $0xFFFFD800  }
0x26: {  	[spmem:s9] =	stream.linear.scatter [tilespmem:s19], [sflag:$0x2], $0x2800, $0x38;
	[tilespmem:$0x16580] =	vst v63  }
0x27: {  	_ =	swait.ge [sflag:s20], $0x2800  }
0x28: {  	[sflag:s20] =	ssyncset.done $0x0  }
0x29: {  	[sflag:s20] =	ssyncadd.s32 $0xFFFFD800  }
0x2a: {  	[spmem:s10] =	stream.linear.scatter [tilespmem:s19], [sflag:$0x2], $0x2800, $0x38;
	[tilespmem:$0x16580] =	vst v63  }
0x2b: {  	_ =	swait.ge [sflag:s20], $0x2800  }
0x2c: {  	[sflag:s20] =	ssyncset.done $0x0  }
0x2d: {  	[sflag:s20] =	ssyncadd.s32 $0xFFFFD800  }
0x2e: {  	[spmem:s11] =	stream.linear.scatter [tilespmem:s19], [sflag:$0x2], $0x2800, $0x38;
	[tilespmem:$0x16580] =	vst v63  }
0x2f: {  	_ =	swait.ge [sflag:s20], $0x2800  }
0x30: {  	[sflag:s20] =	ssyncset.done $0x0  }
0x31: {  	[sflag:s20] =	ssyncadd.s32 $0xFFFFD800  }
0x32: {  	[spmem:s12] =	stream.linear.scatter [tilespmem:s19], [sflag:$0x2], $0x2800, $0x38;
	[tilespmem:$0x16580] =	vst v63  }
0x33: {  	_ =	swait.ge [sflag:s20], $0x2800  }
0x34: {  	[sflag:s20] =	ssyncset.done $0x0  }
0x35: {  	[sflag:s20] =	ssyncadd.s32 $0xFFFFD800  }
0x36: {  	[spmem:s13] =	stream.linear.scatter [tilespmem:s19], [sflag:$0x2], $0x2800, $0x38;
	[tilespmem:$0x16580] =	vst v63  }
0x37: {  	_ =	swait.ge [sflag:s20], $0x2800  }
0x38: {  	[sflag:s20] =	ssyncset.done $0x0  }
0x39: {  	[sflag:s20] =	ssyncadd.s32 $0xFFFFD800  }
0x3a: {  	[spmem:s14] =	stream.linear.scatter [tilespmem:s19], [sflag:$0x2], $0x2800, $0x38;
	[tilespmem:$0x16580] =	vst v63  }
0x3b: {  	_ =	swait.ge [sflag:s20], $0x2800  }
0x3c: {  	[sflag:s20] =	ssyncset.done $0x0  }
0x3d: {  	[sflag:s20] =	ssyncadd.s32 $0xFFFFD800  }
0x3e: {  	[spmem:s15] =	stream.linear.scatter [tilespmem:s19], [sflag:$0x2], $0x2400, $0x38;
	[tilespmem:$0x16580] =	vst v63  }
0x3f: {  	_ =	swait.ge [sflag:s20], $0x2400  }
0x40: {  	[sflag:s20] =	ssyncset.done $0x0  }
0x41: {  	[sflag:s20] =	ssyncadd.s32 $0xFFFFDC00  }
0x42: {  	s25 =	simm.s32 $0x0;
	s26 =	simm.s32 $0x0;
	[bflag:$0x0] =	sbarrier.arrive $0xFFFF  }
.LBB2_4:
0x43: {  	s28 =	smul.u32 $0x50, s26;
	_ =	sdelay $0x1  }
0x44: {  	s28 =	sadd.s32 s16, s28  }
0x45: {  	s28 =	sshrl.u32 s28, $0x3  }
0x46: {  	s29 =	sadd.s32 s7, s28  }
0x47: {  	[tilespmem:s25], [sflag:$0x2] =	stream.linear.gather [hbm4b:s29+s25], $0x50, $0x38;
	[tilespmem:$0x16580] =	vst v63  }
0x48: {  	_ =	swait.ge [sflag:s20], $0x50  }
0x49: {  	[sflag:s20] =	ssyncset.done $0x0  }
0x4a: {  	s31 =	sadd.s32 s0, s28;
	[sflag:s20] =	ssyncadd.s32 $0xFFFFFFB0  }
0x4b: {  	[tilespmem:s21], [sflag:$0x2] =	stream.linear.gather [hbm4b:s31+s25], $0x50, $0x38;
	[tilespmem:$0x16580] =	vst v63  }
0x4c: {  	_ =	swait.ge [sflag:s20], $0x50  }
0x4d: {  	[sflag:s20] =	ssyncset.done $0x0  }
0x4e: {  	s28 =	sadd.s32 s3, s28;
	[sflag:s20] =	ssyncadd.s32 $0xFFFFFFB0  }
0x4f: {  	[tilespmem:s22], [sflag:$0x2] =	stream.linear.gather [hbm4b:s28+s25], $0x50, $0x38;
	[tilespmem:$0x16580] =	vst v63  }
0x50: {  	_ =	swait.ge [sflag:s20], $0x50  }
0x51: {  	[sflag:s20] =	ssyncset.done $0x0  }
0x52: {  	[sflag:s20] =	ssyncadd.s32 $0xFFFFFFB0  }
0x53: {  	[tilespmem:s19], [sflag:$0x1] =	stream.indirect.gather [hbm4b:s6+s23], $0x80, s25, s23, $0xb8;
	[tilespmem:$0x16580] =	vst v63  }
0x54: {  	_ =	swait.ge [sflag:s24], $0x2800  }
0x55: {  	[sflag:s24] =	ssyncset.done $0x0  }
0x56: {  	s28 =	simm.s32 $0x0;
	[sflag:s24] =	ssyncadd.s32 $0xFFFFD800  }
.LBB2_5:
0x57: {  	s29 =	sshll.u32 s28, $0x4  }
0x58: {  	s31 =	sshll.u32 s28, $0xB;
	s29 =	sand.u32 $0x3FFFFFF0, s29  }
0x59: {  	v1 =	vld [tilespmem:s29+$0x100];
	s29 =	sand.u32 $0x3FFFF800, s31  }
0x5a: {  	v2 =	vld [tilespmem:s29+$0x180]  }
0x5b: {  	v3 =	vld [tilespmem:s29+$0x190]  }
0x5c: {  	v4 =	vld [tilespmem:s29+$0x1A0]  }
0x5d: {  	v5 =	vld [tilespmem:s29+$0x1B0]  }
0x5e: {  	v7 =	vld [tilespmem:s29+$0x1C0];
	v6 =	vbroadcast v1, $0x0  }
0x5f: {  	v8 =	vld [tilespmem:s29+$0x1D0]  }
0x60: {  	v9 =	vld [tilespmem:s29+$0x1E0];
	v2 =	vmul.f32 v6, v2  }
0x61: {  	v21 =	vld [tilespmem:s29+$0x240];
	v3 =	vmul.f32 v3, v6  }
0x62: {  	v22 =	vld [tilespmem:s29+$0x250];
	v4 =	vmul.f32 v4, v6;
	[tilespmem:s29+$0x180] =	vst v2  }
0x63: {  	v24 =	vld [tilespmem:s29+$0x270];
	v15 =	vmul.f32 v7, v6;
	[tilespmem:s29+$0x190] =	vst v3  }
0x64: {  	v10 =	vld [tilespmem:s29+$0x1F0];
	v20 =	vbroadcast v1, $0x1;
	v17 =	vmul.f32 v8, v6;
	[tilespmem:s29+$0x1A0] =	vst v4  }
0x65: {  	v28 =	vld [tilespmem:s29+$0x2B0];
	v18 =	vmul.f32 v9, v6;
	[tilespmem:s29+$0x1C0] =	vst v15  }
0x66: {  	v30 =	vld [tilespmem:s29+$0x2C0];
	v26 =	vmul.f32 v21, v20;
	[tilespmem:s29+$0x1D0] =	vst v17  }
0x67: {  	v32 =	vld [tilespmem:s29+$0x2E0];
	v27 =	vmul.f32 v22, v20;
	[tilespmem:s29+$0x1E0] =	vst v18  }
0x68: {  	v33 =	vld [tilespmem:s29+$0x2F0];
	v29 =	vbroadcast v1, $0x2;
	v9 =	vmul.f32 v24, v20;
	[tilespmem:s29+$0x240] =	vst v26  }
0x69: {  	v40 =	vld [tilespmem:s29+$0x340];
	v2 =	vmul.f32 v5, v6;
	[tilespmem:s29+$0x250] =	vst v27  }
0x6a: {  	v34 =	vmul.f32 v28, v29;
	v3 =	vld [tilespmem:s29+$0x200];
	[tilespmem:s29+$0x270] =	vst v9  }
0x6b: {  	v35 =	vmul.f32 v30, v29;
	[tilespmem:s29+$0x1B0] =	vst v2;
	v2 =	vld [tilespmem:s29+$0x220]  }
0x6c: {  	v19 =	vld [tilespmem:s29+$0x230];
	v39 =	vbroadcast v1, $0x3;
	v37 =	vmul.f32 v32, v29;
	[tilespmem:s29+$0x2B0] =	vst v34  }
0x6d: {  	v41 =	vld [tilespmem:s29+$0x350];
	v8 =	vmul.f32 v33, v29;
	[tilespmem:s29+$0x2C0] =	vst v35  }
0x6e: {  	v42 =	vld [tilespmem:s29+$0x360];
	v44 =	vmul.f32 v40, v39;
	[tilespmem:s29+$0x2E0] =	vst v37  }
0x6f: {  	v50 =	vld [tilespmem:s29+$0x3C0];
	[tilespmem:s29+$0x2F0] =	vst v8;
	v3 =	vmul.f32 v3, v20  }
0x70: {  	v51 =	vld [tilespmem:s29+$0x3D0];
	[tilespmem:s29+$0x340] =	vst v44;
	v2 =	vmul.f32 v2, v20  }
0x71: {  	v52 =	vld [tilespmem:s29+$0x3E0];
	[tilespmem:s29+$0x200] =	vst v3;
	v3 =	vmul.f32 v19, v20  }
0x72: {  	v49 =	vbroadcast v1, $0x4;
	v46 =	vmul.f32 v41, v39;
	[tilespmem:s29+$0x220] =	vst v2;
	v2 =	vld [tilespmem:s29+$0x290]  }
0x73: {  	v47 =	vmul.f32 v42, v39;
	[tilespmem:s29+$0x230] =	vst v3;
	v3 =	vld [tilespmem:s29+$0x2A0]  }
0x74: {  	v58 =	vld [tilespmem:s29+$0x430];
	v55 =	vmul.f32 v50, v49;
	[tilespmem:s29+$0x350] =	vst v46  }
0x75: {  	v60 =	vld [tilespmem:s29+$0x440];
	v56 =	vmul.f32 v51, v49;
	[tilespmem:s29+$0x360] =	vst v47  }
0x76: {  	v61 =	vld [tilespmem:s29+$0x450];
	v57 =	vmul.f32 v52, v49;
	[tilespmem:s29+$0x3C0] =	vst v55  }
0x77: {  	v16 =	vld [tilespmem:s29+$0x210];
	v59 =	vbroadcast v1, $0x5;
	[tilespmem:s29+$0x3D0] =	vst v56;
	v2 =	vmul.f32 v2, v29  }
0x78: {  	v23 =	vld [tilespmem:s29+$0x260];
	[tilespmem:s29+$0x3E0] =	vst v57;
	v3 =	vmul.f32 v3, v29  }
0x79: {  	v12 =	vmul.f32 v58, v59;
	[tilespmem:s29+$0x290] =	vst v2;
	v2 =	vld [tilespmem:s29+$0x300]  }
0x7a: {  	v13 =	vmul.f32 v60, v59;
	[tilespmem:s29+$0x2A0] =	vst v3;
	v3 =	vld [tilespmem:s29+$0x310]  }
0x7b: {  	v38 =	vld [tilespmem:s29+$0x330];
	v14 =	vmul.f32 v61, v59;
	[tilespmem:s29+$0x430] =	vst v12  }
0x7c: {  	v43 =	vld [tilespmem:s29+$0x370];
	v6 =	vmul.f32 v10, v6;
	[tilespmem:s29+$0x440] =	vst v13  }
0x7d: {  	v53 =	vld [tilespmem:s29+$0x3F0];
	v4 =	vmul.f32 v16, v20;
	[tilespmem:s29+$0x450] =	vst v14  }
0x7e: {  	v62 =	vld [tilespmem:s29+$0x460];
	[tilespmem:s29+$0x1F0] =	vst v6;
	v2 =	vmul.f32 v2, v39  }
0x7f: {  	v25 =	vld [tilespmem:s29+$0x280];
	[tilespmem:s29+$0x210] =	vst v4;
	v3 =	vmul.f32 v3, v39  }
0x80: {  	v31 =	vld [tilespmem:s29+$0x2D0];
	[tilespmem:s29+$0x300] =	vst v2;
	v2 =	vmul.f32 v38, v39  }
0x81: {  	v9 =	vmul.f32 v43, v39;
	[tilespmem:s29+$0x310] =	vst v3;
	v3 =	vld [tilespmem:s29+$0x380]  }
0x82: {  	v8 =	vmul.f32 v53, v49;
	[tilespmem:s29+$0x330] =	vst v2;
	v2 =	vld [tilespmem:s29+$0x3A0]  }
0x83: {  	v48 =	vld [tilespmem:s29+$0x3B0];
	v16 =	vmul.f32 v62, v59;
	[tilespmem:s29+$0x370] =	vst v9  }
0x84: {  	v63 =	vld [tilespmem:s29+$0x470];
	v6 =	vmul.f32 v23, v20;
	[tilespmem:s29+$0x3F0] =	vst v8  }
0x85: {  	v21 =	vld [tilespmem:s29+$0x4E0];
	v4 =	vmul.f32 v25, v29;
	[tilespmem:s29+$0x460] =	vst v16  }
0x86: {  	v22 =	vld [tilespmem:s29+$0x4F0];
	[tilespmem:s29+$0x260] =	vst v6;
	v3 =	vmul.f32 v3, v49  }
0x87: {  	v30 =	vld [tilespmem:s29+$0x550];
	[tilespmem:s29+$0x280] =	vst v4;
	v2 =	vmul.f32 v2, v49  }
0x88: {  	v36 =	vld [tilespmem:s29+$0x320];
	v18 =	vbroadcast v1, $0x6;
	[tilespmem:s29+$0x380] =	vst v3;
	v3 =	vmul.f32 v48, v49  }
0x89: {  	v9 =	vmul.f32 v63, v59;
	[tilespmem:s29+$0x3A0] =	vst v2;
	v2 =	vld [tilespmem:s29+$0x410]  }
0x8a: {  	v28 =	vbroadcast v1, $0x7;
	v26 =	vmul.f32 v21, v18;
	[tilespmem:s29+$0x3B0] =	vst v3;
	v3 =	vld [tilespmem:s29+$0x420]  }
0x8b: {  	v8 =	vmul.f32 v22, v18;
	[tilespmem:s29+$0x470] =	vst v9  }
0x8c: {  	v45 =	vld [tilespmem:s29+$0x390];
	v35 =	vmul.f32 v30, v28;
	[tilespmem:s29+$0x4E0] =	vst v26  }
0x8d: {  	v32 =	vld [tilespmem:s29+$0x570];
	v4 =	vmul.f32 v36, v39;
	[tilespmem:s29+$0x4F0] =	vst v8  }
0x8e: {  	v54 =	vld [tilespmem:s29+$0x400];
	[tilespmem:s29+$0x550] =	vst v35;
	v2 =	vmul.f32 v2, v59  }
0x8f: {  	v6 =	vmul.f32 v31, v29;
	v31 =	vld [tilespmem:s29+$0x560];
	[tilespmem:s29+$0x320] =	vst v4;
	v3 =	vmul.f32 v3, v59  }
0x90: {  	[tilespmem:s29+$0x410] =	vst v2;
	v2 =	vld [tilespmem:s29+$0x480]  }
0x91: {  	v4 =	vmul.f32 v45, v49;
	[tilespmem:s29+$0x420] =	vst v3;
	v3 =	vld [tilespmem:s29+$0x490]  }
0x92: {  	v17 =	vld [tilespmem:s29+$0x4B0];
	v9 =	vmul.f32 v32, v28;
	[tilespmem:s29+$0x2D0] =	vst v6  }
0x93: {  	v15 =	vld [tilespmem:s29+$0x4A0];
	[tilespmem:s29+$0x390] =	vst v4;
	v4 =	vmul.f32 v54, v59  }
0x94: {  	[tilespmem:s29+$0x570] =	vst v9;
	v19 =	vld [tilespmem:s29+$0x4C0];
	v36 =	vmul.f32 v31, v28  }
0x95: {  	v20 =	vld [tilespmem:s29+$0x4D0];
	[tilespmem:s29+$0x400] =	vst v4;
	v2 =	vmul.f32 v2, v18  }
0x96: {  	v24 =	vld [tilespmem:s29+$0x510];
	[tilespmem:s29+$0x560] =	vst v36;
	v3 =	vmul.f32 v3, v18  }
0x97: {  	v29 =	vld [tilespmem:s29+$0x540];
	[tilespmem:s29+$0x480] =	vst v2;
	v2 =	vmul.f32 v17, v18  }
0x98: {  	v4 =	vmul.f32 v15, v18;
	[tilespmem:s29+$0x490] =	vst v3;
	v3 =	vld [tilespmem:s29+$0x500]  }
0x99: {  	v23 =	vmul.f32 v19, v18;
	[tilespmem:s29+$0x4B0] =	vst v2;
	v2 =	vld [tilespmem:s29+$0x520]  }
0x9a: {  	v27 =	vld [tilespmem:s29+$0x530];
	[tilespmem:s29+$0x4A0] =	vst v4;
	v25 =	vmul.f32 v20, v18  }
0x9b: {  	v33 =	vld [tilespmem:s29+$0x580];
	v4 =	vmul.f32 v24, v28;
	[tilespmem:s29+$0x4C0] =	vst v23  }
0x9c: {  	v37 =	vld [tilespmem:s29+$0x5B0];
	[tilespmem:s29+$0x4D0] =	vst v25;
	v34 =	vmul.f32 v29, v28  }
0x9d: {  	v40 =	vld [tilespmem:s29+$0x5D0];
	[tilespmem:s29+$0x510] =	vst v4;
	v3 =	vmul.f32 v3, v28  }
0x9e: {  	v41 =	vld [tilespmem:s29+$0x5E0];
	[tilespmem:s29+$0x540] =	vst v34;
	v38 =	vbroadcast v1, $0x8;
	v2 =	vmul.f32 v2, v28  }
0x9f: {  	v42 =	vld [tilespmem:s29+$0x5F0];
	[tilespmem:s29+$0x500] =	vst v3;
	v3 =	vmul.f32 v27, v28  }
0xa0: {  	v4 =	vmul.f32 v33, v38;
	[tilespmem:s29+$0x520] =	vst v2;
	v2 =	vld [tilespmem:s29+$0x590]  }
0xa1: {  	v43 =	vmul.f32 v37, v38;
	[tilespmem:s29+$0x530] =	vst v3;
	v3 =	vld [tilespmem:s29+$0x5A0]  }
0xa2: {  	v39 =	vld [tilespmem:s29+$0x5C0];
	v45 =	vmul.f32 v40, v38;
	[tilespmem:s29+$0x580] =	vst v4  }
0xa3: {  	v46 =	vld [tilespmem:s29+$0x620];
	v47 =	vmul.f32 v41, v38;
	[tilespmem:s29+$0x5B0] =	vst v43  }
0xa4: {  	v50 =	vld [tilespmem:s29+$0x640];
	v8 =	vmul.f32 v42, v38;
	[tilespmem:s29+$0x5D0] =	vst v45  }
0xa5: {  	v51 =	vld [tilespmem:s29+$0x650];
	[tilespmem:s29+$0x5E0] =	vst v47;
	v2 =	vmul.f32 v2, v38  }
0xa6: {  	v52 =	vld [tilespmem:s29+$0x660];
	[tilespmem:s29+$0x5F0] =	vst v8;
	v49 =	vbroadcast v1, $0x9;
	v3 =	vmul.f32 v3, v38  }
0xa7: {  	v44 =	vmul.f32 v39, v38;
	[tilespmem:s29+$0x590] =	vst v2;
	v2 =	vld [tilespmem:s29+$0x600]  }
0xa8: {  	v4 =	vmul.f32 v46, v49;
	[tilespmem:s29+$0x5A0] =	vst v3;
	v3 =	vld [tilespmem:s29+$0x610]  }
0xa9: {  	[tilespmem:s29+$0x5C0] =	vst v44;
	v48 =	vld [tilespmem:s29+$0x630];
	v54 =	vmul.f32 v50, v49  }
0xaa: {  	v53 =	vld [tilespmem:s29+$0x670];
	v56 =	vmul.f32 v51, v49;
	[tilespmem:s29+$0x620] =	vst v4  }
0xab: {  	v55 =	vld [tilespmem:s29+$0x690];
	v57 =	vmul.f32 v52, v49;
	[tilespmem:s29+$0x640] =	vst v54  }
0xac: {  	v60 =	vld [tilespmem:s29+$0x6C0];
	[tilespmem:s29+$0x650] =	vst v56;
	v2 =	vmul.f32 v2, v49  }
0xad: {  	v61 =	vld [tilespmem:s29+$0x6D0];
	[tilespmem:s29+$0x660] =	vst v57;
	v3 =	vmul.f32 v3, v49  }
0xae: {  	v62 =	vld [tilespmem:s29+$0x6E0];
	v59 =	vbroadcast v1, $0xA;
	[tilespmem:s29+$0x600] =	vst v2;
	v2 =	vmul.f32 v48, v49  }
0xaf: {  	v9 =	vmul.f32 v53, v49;
	[tilespmem:s29+$0x610] =	vst v3;
	v3 =	vld [tilespmem:s29+$0x680]  }
0xb0: {  	v4 =	vmul.f32 v55, v59;
	[tilespmem:s29+$0x630] =	vst v2;
	v2 =	vld [tilespmem:s29+$0x6A0]  }
0xb1: {  	v58 =	vld [tilespmem:s29+$0x6B0];
	[tilespmem:s29+$0x670] =	vst v9;
	v13 =	vmul.f32 v60, v59  }
0xb2: {  	v63 =	vld [tilespmem:s29+$0x6F0];
	v14 =	vmul.f32 v61, v59;
	[tilespmem:s29+$0x690] =	vst v4  }
0xb3: {  	v12 =	vld [tilespmem:s29+$0x700];
	v15 =	vmul.f32 v62, v59;
	[tilespmem:s29+$0x6C0] =	vst v13  }
0xb4: {  	v16 =	vld [tilespmem:s29+$0x730];
	[tilespmem:s29+$0x6D0] =	vst v14;
	v3 =	vmul.f32 v3, v59  }
0xb5: {  	v19 =	vld [tilespmem:s29+$0x750];
	[tilespmem:s29+$0x6E0] =	vst v15;
	v2 =	vmul.f32 v2, v59  }
0xb6: {  	v20 =	vld [tilespmem:s29+$0x760];
	v17 =	vbroadcast v1, $0xB;
	[tilespmem:s29+$0x680] =	vst v3;
	v3 =	vmul.f32 v58, v59  }
0xb7: {  	v8 =	vmul.f32 v63, v59;
	[tilespmem:s29+$0x6A0] =	vst v2;
	v2 =	vld [tilespmem:s29+$0x710]  }
0xb8: {  	v4 =	vmul.f32 v12, v17;
	[tilespmem:s29+$0x6B0] =	vst v3;
	v3 =	vld [tilespmem:s29+$0x720]  }
0xb9: {  	v21 =	vld [tilespmem:s29+$0x770];
	[tilespmem:s29+$0x6F0] =	vst v8;
	v22 =	vmul.f32 v16, v17  }
0xba: {  	v18 =	vld [tilespmem:s29+$0x740];
	v24 =	vmul.f32 v19, v17;
	[tilespmem:s29+$0x700] =	vst v4  }
0xbb: {  	v25 =	vld [tilespmem:s29+$0x7A0];
	v26 =	vmul.f32 v20, v17;
	[tilespmem:s29+$0x730] =	vst v22  }
0xbc: {  	v29 =	vld [tilespmem:s29+$0x7C0];
	[tilespmem:s29+$0x750] =	vst v24;
	v2 =	vmul.f32 v2, v17  }
0xbd: {  	v30 =	vld [tilespmem:s29+$0x7D0];
	[tilespmem:s29+$0x760] =	vst v26;
	v3 =	vmul.f32 v3, v17  }
0xbe: {  	v9 =	vmul.f32 v21, v17;
	v28 =	vbroadcast v1, $0xC;
	[tilespmem:s29+$0x710] =	vst v2;
	v2 =	vld [tilespmem:s29+$0x780]  }
0xbf: {  	v23 =	vmul.f32 v18, v17;
	[tilespmem:s29+$0x720] =	vst v3;
	v3 =	vld [tilespmem:s29+$0x790]  }
0xc0: {  	[tilespmem:s29+$0x770] =	vst v9;
	v27 =	vld [tilespmem:s29+$0x7B0];
	v4 =	vmul.f32 v25, v28  }
0xc1: {  	v31 =	vld [tilespmem:s29+$0x7E0];
	[tilespmem:s29+$0x740] =	vst v23;
	v33 =	vmul.f32 v29, v28  }
0xc2: {  	v32 =	vld [tilespmem:s29+$0x7F0];
	v35 =	vmul.f32 v30, v28;
	[tilespmem:s29+$0x7A0] =	vst v4  }
0xc3: {  	v34 =	vld [tilespmem:s29+$0x810];
	[tilespmem:s29+$0x7C0] =	vst v33;
	v2 =	vmul.f32 v2, v28  }
0xc4: {  	v39 =	vld [tilespmem:s29+$0x840];
	[tilespmem:s29+$0x7D0] =	vst v35;
	v3 =	vmul.f32 v3, v28  }
0xc5: {  	v40 =	vld [tilespmem:s29+$0x850];
	[tilespmem:s29+$0x780] =	vst v2;
	v2 =	vmul.f32 v27, v28  }
0xc6: {  	v36 =	vmul.f32 v31, v28;
	v38 =	vbroadcast v1, $0xD;
	[tilespmem:s29+$0x790] =	vst v3;
	v3 =	vld [tilespmem:s29+$0x800]  }
0xc7: {  	v8 =	vmul.f32 v32, v28;
	[tilespmem:s29+$0x7B0] =	vst v2;
	v2 =	vld [tilespmem:s29+$0x820]  }
0xc8: {  	v37 =	vld [tilespmem:s29+$0x830];
	[tilespmem:s29+$0x7E0] =	vst v36;
	v4 =	vmul.f32 v34, v38  }
0xc9: {  	v41 =	vld [tilespmem:s29+$0x860];
	[tilespmem:s29+$0x7F0] =	vst v8;
	v44 =	vmul.f32 v39, v38  }
0xca: {  	v42 =	vld [tilespmem:s29+$0x870];
	v45 =	vmul.f32 v40, v38;
	[tilespmem:s29+$0x810] =	vst v4  }
0xcb: {  	v43 =	vld [tilespmem:s29+$0x880];
	[tilespmem:s29+$0x840] =	vst v44;
	v3 =	vmul.f32 v3, v38  }
0xcc: {  	v47 =	vld [tilespmem:s29+$0x8B0];
	[tilespmem:s29+$0x850] =	vst v45;
	v2 =	vmul.f32 v2, v38  }
0xcd: {  	v50 =	vld [tilespmem:s29+$0x8D0];
	[tilespmem:s29+$0x800] =	vst v3;
	v3 =	vmul.f32 v37, v38  }
0xce: {  	v46 =	vmul.f32 v41, v38;
	v48 =	vbroadcast v1, $0xE;
	[tilespmem:s29+$0x820] =	vst v2;
	v2 =	vld [tilespmem:s29+$0x890]  }
0xcf: {  	v9 =	vmul.f32 v42, v38;
	[tilespmem:s29+$0x830] =	vst v3;
	v3 =	vld [tilespmem:s29+$0x8A0]  }
0xd0: {  	v51 =	vld [tilespmem:s29+$0x8E0];
	[tilespmem:s29+$0x860] =	vst v46;
	v4 =	vmul.f32 v43, v48  }
0xd1: {  	v52 =	vld [tilespmem:s29+$0x8F0];
	[tilespmem:s29+$0x870] =	vst v9;
	v53 =	vmul.f32 v47, v48  }
0xd2: {  	v60 =	vld [tilespmem:s29+$0x950];
	v55 =	vmul.f32 v50, v48;
	[tilespmem:s29+$0x880] =	vst v4  }
0xd3: {  	v56 =	vld [tilespmem:s29+$0x920];
	[tilespmem:s29+$0x8B0] =	vst v53;
	v2 =	vmul.f32 v2, v48  }
0xd4: {  	v49 =	vld [tilespmem:s29+$0x8C0];
	[tilespmem:s29+$0x8D0] =	vst v55;
	v3 =	vmul.f32 v3, v48  }
0xd5: {  	v1 =	vbroadcast v1, $0xF;
	v57 =	vmul.f32 v51, v48;
	[tilespmem:s29+$0x890] =	vst v2;
	v2 =	vld [tilespmem:s29+$0x900]  }
0xd6: {  	v8 =	vmul.f32 v52, v48;
	[tilespmem:s29+$0x8A0] =	vst v3;
	v3 =	vld [tilespmem:s29+$0x910]  }
0xd7: {  	v63 =	vmul.f32 v60, v1;
	[tilespmem:s29+$0x8E0] =	vst v57;
	v58 =	vld [tilespmem:s29+$0x930]  }
0xd8: {  	[tilespmem:s29+$0x8F0] =	vst v8;
	v4 =	vmul.f32 v56, v1;
	v59 =	vld [tilespmem:s29+$0x940]  }
0xd9: {  	v61 =	vld [tilespmem:s29+$0x960];
	[tilespmem:s29+$0x950] =	vst v63;
	v54 =	vmul.f32 v49, v48  }
0xda: {  	v62 =	vld [tilespmem:s29+$0x970];
	[tilespmem:s29+$0x920] =	vst v4;
	v2 =	vmul.f32 v2, v1  }
0xdb: {  	[tilespmem:s29+$0x8C0] =	vst v54;
	v3 =	vmul.f32 v3, v1  }
0xdc: {  	p0 =	sne.s32 s28, $0x4;
	[tilespmem:s29+$0x900] =	vst v2;
	v2 =	vmul.f32 v58, v1  }
.Ltmp1:
0xdd: {  	[tilespmem:s29+$0x910] =	vst v3;
	v3 =	vmul.f32 v59, v1;
	(pc) =	sbr.rel @p0 .LBB2_5-.Ltmp1, $4  }
0xde: {  	[tilespmem:s29+$0x930] =	vst v2;
	v2 =	vmul.f32 v61, v1  }
0xdf: {  	[tilespmem:s29+$0x940] =	vst v3;
	v1 =	vmul.f32 v62, v1  }
0xe0: {  	[tilespmem:s29+$0x960] =	vst v2  }
0xe1: {  	s28 =	sadd.s32 $0x1, s28;
	[tilespmem:s29+$0x970] =	vst v1  }
0xe2: {  	s26 =	sadd.s32 $0x1, s26  }
0xe3: {  	p0 =	sne.s32 s26, $0x7D  }
.Ltmp2:
0xe4: {  	_ = 	snop;
	(pc) =	sbr.rel @p0 .LBB2_4-.Ltmp2, $4  }
0xe5: {  	[spmem:s4] =	stream.indirect.scatter.add.f32 [tilespmem:s19], [sflag:$0x2], $0x80, s21, s23, $0xb8;
	[tilespmem:$0x16580] =	vst v63  }
0xe6: {  	_ =	swait.ge [sflag:s20], $0x2800  }
0xe7: {  	[sflag:s20] =	ssyncset.done $0x0  }
0xe8: {  	[sflag:s20] =	ssyncadd.s32 $0xFFFFD800  }
0xe9: {  	s5 =	sadd.s32 $0x1, s5  }
0xea: {  	s25 =	sshll.u32 s2, $0x6;
	[bflag:$0x0] =	sbarrier.arrive $0xFFFF;
	p0 =	sne.s32 s5, s18  }
.Ltmp3:
0xeb: {  	s26 =	sshrl.u32 s8, $0x3;
	s25 =	sor.u32 $0x1C02, s25;
	(pc) =	sbr.rel @p0 .LBB2_1-.Ltmp3, $4  }
0xec: {  	[hbm:s17], [sflag:s25] =	dma.local [spmem:s26], $0x2780  }
0xed: {  	_ =	swait.ge [sflag:s20], $0x2780  }
0xee: {  	[sflag:s20] =	ssyncset.done $0x0  }
0xef: {  	[sflag:s20] =	ssyncadd.s32 $0xFFFFD880  }
0xf0: {  	_ =	sfence.sel $0x180000  }
0xf1: {  	[bflag:$0x0] =	sbarrier.arrive $0xFFFF  }
0xf2: {  	p0 =	sne.s32 s2, $0x0;
	_ =	strace $0x90000047  }
0xf3: {  	s0 =	sadd.s32 @!p0 $0x100000, s1;
	[bflag:$0x2] =	sbarrier.arrive $0xFFFF  }
0xf4: {  	[sflag:s0] =	ssyncadd.tile.s32 @!p0 $0x1;
	_ =	shalt  }
.Lfunc_end2:
_tile_overlayer_lowered:
.L_overlay_start_2:
0xf5: {  	(tag) =	ssettag $0x2  }
0xf6: {  	s0 =	rddreg [dreg:$0x0];
	s2 =	stileid.u32  }
0xf7: {  	s1 =	rddreg [dreg:$0x1];
	p0 =	sne.s32 s2, $0x0  }
0xf8: {  	s3 =	rddreg [dreg:$0x2];
	[bflag:$0x3] =	sbarrier.arrive $0xFFFF;
	s2 =	simm.s32 @!p0 $0x1C02  }
0xf9: {  	[timem:s3], [sflag:s2] =	dma.local @!p0 [hbm:s0], s1  }
0xfa: {  	s0 =	simm.s32 @!p0 $0x2  }
0xfb: {  	_ =	swait.ge @!p0 [sflag:s0], s1  }
0xfc: {  	s1 =	ssub.s32 @!p0 $0x0, s1;
	[sflag:s0] =	ssyncset.done @!p0 $0x0  }
0xfd: {  	[sflag:s0] =	ssyncadd.s32 @!p0 s1  }
0xfe: {  	[bflag:$0x3] =	sbarrier.arrive $0xFFFF  }
0xff: {  	_ =	shalt  }

</sc_bundles>
